<compile_context>
chip_gen: v7x
topology: tpu7x:2x2x1
jax: 0.10.2.dev20260603
libtpu: 0.0.44.dev20260713+nightly
codegen_flags: <defaults>
</compile_context>

<pallas_src>
import functools

import jax
import jax.numpy as jnp
from jax import lax
from jax.experimental import pallas as pl
from jax.experimental.pallas import tpu as pltpu
from jax.experimental.pallas import tpu_sc as plsc

E = 8
H = 1024
I_DIM = 512
IS_DIM = 512
T = 2048
TM = 128
NT = 40
P = NT * TM
NSUB = 32



def _k1_body(x_ref, gate_w_ref, swg_ref, swu_ref, swd_ref,
             shared_ref, slot0_ref, slot1_ref, w1_ref, w2_ref,
             te_ref):
    x32 = x_ref[...]
    xb = x32.astype(jnp.bfloat16)

    logits = jax.lax.dot_general(
        x32, gate_w_ref[...], (((1,), (1,)), ((), ())),
        preferred_element_type=jnp.float32)
    m = jnp.max(logits, axis=-1, keepdims=True)
    p = jnp.exp(logits - m)
    p = p / jnp.sum(p, axis=-1, keepdims=True)
    lane = jax.lax.broadcasted_iota(jnp.int32, (T, E), 1)
    v1 = jnp.max(p, axis=-1, keepdims=True)
    e1 = jnp.min(jnp.where(p >= v1, lane, E), axis=-1, keepdims=True)
    m1 = lane == e1
    pm = jnp.where(m1, -jnp.inf, p)
    v2 = jnp.max(pm, axis=-1, keepdims=True)
    e2 = jnp.min(jnp.where(pm >= v2, lane, E), axis=-1, keepdims=True)
    m2 = lane == e2
    s = v1 + v2 + 1e-20
    w1_ref[...] = v1 / s
    w2_ref[...] = v2 / s

    oh1 = m1.astype(jnp.float32)
    oh2 = m2.astype(jnp.float32)

    r = jax.lax.broadcasted_iota(jnp.int32, (TM, TM), 0)
    c = jax.lax.broadcasted_iota(jnp.int32, (TM, TM), 1)
    tril = (r > c).astype(jnp.float32)
    def excl_cumsum(oh):
        out, off = [], jnp.zeros((1, E), jnp.float32)
        for b in range(T // TM):
            blk = oh[b * TM:(b + 1) * TM]
            out.append(jnp.dot(tril, blk, preferred_element_type=jnp.float32)
                       + off)
            off = off + jnp.sum(blk, axis=0, keepdims=True)
        return jnp.concatenate(out, axis=0), off
    C1, tot1 = excl_cumsum(oh1)
    C2, tot2 = excl_cumsum(oh2)

    counts = tot1 + tot2
    ntiles = jnp.floor((counts + (TM - 1)) * (1.0 / TM))
    fe = jax.lax.broadcasted_iota(jnp.int32, (E, E), 0)
    ee = jax.lax.broadcasted_iota(jnp.int32, (E, E), 1)
    lt = (fe < ee).astype(jnp.float32)
    tbase_tiles = jnp.dot(ntiles, lt,
                          preferred_element_type=jnp.float32)
    base = tbase_tiles * float(TM)

    rank0 = jnp.sum(C1 * oh1, axis=-1, keepdims=True)
    rank1 = jnp.sum((tot1 + C2) * oh2, axis=-1, keepdims=True)
    base0 = jnp.sum(base * oh1, axis=-1, keepdims=True)
    base1 = jnp.sum(base * oh2, axis=-1, keepdims=True)
    slot0_ref[...] = (base0 + rank0).astype(jnp.int32)
    slot1_ref[...] = (base1 + rank1).astype(jnp.int32)

    j64 = jax.lax.broadcasted_iota(jnp.int32, (8, 64), 1)
    tbi = tbase_tiles.astype(jnp.int32)
    te = jnp.zeros((8, 64), jnp.int32)
    for e in range(E):
        tb_e = tbi[0:1, e:e + 1]
        te = te + (j64 >= tb_e).astype(jnp.int32)
    te_ref[...] = te - 1

    sgb = swg_ref[...].astype(jnp.bfloat16)
    sub = swu_ref[...].astype(jnp.bfloat16)
    sdb = swd_ref[...].astype(jnp.bfloat16)
    g = jnp.dot(xb, sgb, preferred_element_type=jnp.float32)
    u = jnp.dot(xb, sub, preferred_element_type=jnp.float32)
    hh = (g * jax.nn.sigmoid(g)) * u
    shared_ref[...] = jnp.dot(hh.astype(jnp.bfloat16), sdb,
                              preferred_element_type=jnp.float32)


def _run_k1(x, gate_w, sw_gate, sw_up, sw_down):
    return pl.pallas_call(
        _k1_body,
        grid=(1,),
        in_specs=[
            pl.BlockSpec((T, H), lambda i: (0, 0)),
            pl.BlockSpec((E, H), lambda i: (0, 0)),
            pl.BlockSpec((H, IS_DIM), lambda i: (0, 0)),
            pl.BlockSpec((H, IS_DIM), lambda i: (0, 0)),
            pl.BlockSpec((IS_DIM, H), lambda i: (0, 0)),
        ],
        out_specs=[
            pl.BlockSpec((T, H), lambda i: (0, 0)),
            pl.BlockSpec((T, 1), lambda i: (0, 0)),
            pl.BlockSpec((T, 1), lambda i: (0, 0)),
            pl.BlockSpec((T, 1), lambda i: (0, 0)),
            pl.BlockSpec((T, 1), lambda i: (0, 0)),
            pl.BlockSpec((8, 64), lambda i: (0, 0)),
        ],
        out_shape=[
            jax.ShapeDtypeStruct((T, H), jnp.float32),
            jax.ShapeDtypeStruct((T, 1), jnp.int32),
            jax.ShapeDtypeStruct((T, 1), jnp.int32),
            jax.ShapeDtypeStruct((T, 1), jnp.float32),
            jax.ShapeDtypeStruct((T, 1), jnp.float32),
            jax.ShapeDtypeStruct((8, 64), jnp.int32),
        ],
    )(x, gate_w, sw_gate, sw_up, sw_down)



def _dispatch_xs(x2d, slots):
    mesh = plsc.VectorSubcoreMesh(core_axis_name="c", subcore_axis_name="s")

    @functools.partial(
        pl.kernel, mesh=mesh,
        out_type=jax.ShapeDtypeStruct((P, H), jnp.float32),
        scratch_types=[
            pltpu.VMEM((64,), jnp.int32),
            pltpu.VMEM((64, H), jnp.float32),
            pltpu.SemaphoreType.DMA,
        ],
    )
    def k2(x_hbm, slots_hbm, xs_hbm, idx_v, rows_v, sem):
        wid = lax.axis_index("s") * 2 + lax.axis_index("c")
        k = wid // 16
        w1 = wid % 16
        for c in range(2):
            tok0 = 64 * (2 * w1 + c)
            pltpu.sync_copy(x_hbm.at[pl.ds(tok0, 64)], rows_v)
            pltpu.sync_copy(slots_hbm.at[k * 32 + 2 * w1 + c], idx_v)
            pltpu.async_copy(rows_v, xs_hbm.at[idx_v], sem).wait()

    return k2(x2d, slots)



def _k3_body(te_ref, xs_ref, wg_ref, wu_ref, wd_ref, ys_ref):
    xs = xs_ref[...].astype(jnp.bfloat16)
    g = jnp.dot(xs, wg_ref[0], preferred_element_type=jnp.float32)
    u = jnp.dot(xs, wu_ref[0], preferred_element_type=jnp.float32)
    hh = (g * jax.nn.sigmoid(g)) * u
    ys_ref[...] = jnp.dot(hh.astype(jnp.bfloat16), wd_ref[0],
                          preferred_element_type=jnp.float32)


def _run_k3(te, xs2d, wgb, wub, wdb):
    grid_spec = pltpu.PrefetchScalarGridSpec(
        num_scalar_prefetch=1,
        grid=(NT,),
        in_specs=[
            pl.BlockSpec((TM, H), lambda t, te_r: (t, 0)),
            pl.BlockSpec((1, H, I_DIM), lambda t, te_r: (te_r[t], 0, 0)),
            pl.BlockSpec((1, H, I_DIM), lambda t, te_r: (te_r[t], 0, 0)),
            pl.BlockSpec((1, I_DIM, H), lambda t, te_r: (te_r[t], 0, 0)),
        ],
        out_specs=pl.BlockSpec((TM, H), lambda t, te_r: (t, 0)),
    )
    return pl.pallas_call(
        _k3_body,
        grid_spec=grid_spec,
        out_shape=jax.ShapeDtypeStruct((P, H), jnp.float32),
    )(te, xs2d, wgb, wub, wdb)



def _gather_ab(ys2d, pos_all):
    mesh = plsc.VectorSubcoreMesh(core_axis_name="c", subcore_axis_name="s")

    @functools.partial(
        pl.kernel, mesh=mesh,
        out_type=(jax.ShapeDtypeStruct((T, H), jnp.float32),
                  jax.ShapeDtypeStruct((T, H), jnp.float32)),
        scratch_types=[
            pltpu.VMEM((64,), jnp.int32),
            pltpu.VMEM((64, H), jnp.float32),
            pltpu.SemaphoreType.DMA,
        ],
    )
    def k4a(ys_hbm, pos_hbm, a_hbm, b_hbm, idx_v, rows_v, sem):
        wid = lax.axis_index("s") * 2 + lax.axis_index("c")
        tok0 = wid * 64
        pltpu.sync_copy(pos_hbm.at[wid], idx_v)
        pltpu.async_copy(ys_hbm.at[idx_v], rows_v, sem).wait()
        pltpu.sync_copy(rows_v, a_hbm.at[pl.ds(tok0, 64)])
        pltpu.sync_copy(pos_hbm.at[32 + wid], idx_v)
        pltpu.async_copy(ys_hbm.at[idx_v], rows_v, sem).wait()
        pltpu.sync_copy(rows_v, b_hbm.at[pl.ds(tok0, 64)])

    return k4a(ys2d, pos_all)



def _k4b_body(a_ref, b_ref, sh_ref, w1_ref, w2_ref, out_ref):
    out_ref[...] = (w1_ref[...] * a_ref[...] + w2_ref[...] * b_ref[...]
                    + sh_ref[...])


def _run_k4b(a2d, b2d, shared, w1, w2):
    return pl.pallas_call(
        _k4b_body,
        grid=(1,),
        in_specs=[
            pl.BlockSpec((T, H), lambda i: (0, 0)),
            pl.BlockSpec((T, H), lambda i: (0, 0)),
            pl.BlockSpec((T, H), lambda i: (0, 0)),
            pl.BlockSpec((T, 1), lambda i: (0, 0)),
            pl.BlockSpec((T, 1), lambda i: (0, 0)),
        ],
        out_specs=pl.BlockSpec((T, H), lambda i: (0, 0)),
        out_shape=jax.ShapeDtypeStruct((T, H), jnp.float32),
    )(a2d, b2d, shared, w1, w2)



def kernel(hidden_states, gate_w, w_gate, w_up, w_down, sw_gate, sw_up, sw_down):
    b, s, h = hidden_states.shape
    x = hidden_states.reshape(s, h)

    shared, slot0, slot1, w1, w2, te8 = _run_k1(
        x, gate_w, sw_gate, sw_up, sw_down)
    te = te8[0]

    slots = jnp.concatenate([slot0.reshape(32, 64),
                             slot1.reshape(32, 64)], axis=0)
    xs = _dispatch_xs(x, slots)

    wgb = w_gate.astype(jnp.bfloat16)
    wub = w_up.astype(jnp.bfloat16)
    wdb = w_down.astype(jnp.bfloat16)
    ys = _run_k3(te, xs, wgb, wub, wdb)

    pos_all = jnp.concatenate([slot0.reshape(32, 64),
                               slot1.reshape(32, 64)], axis=0)
    a2d, b2d = _gather_ab(ys, pos_all)

    out = _run_k4b(a2d, b2d, shared, w1, w2)
    return out.reshape(b, s, h)

# --- scband reference (transcript-rebuilt; emitter-appended) ---
"""Pipeline reference for scband-lla-da2-sparse-moe-block-53309134078045 (READ-ONLY COPY).

The authoritative reference and input builder live on the scoring server;
editing this copy changes nothing except your own understanding.
"""

import jax, jax.numpy as jnp
import numpy as np

E = 8          # num_experts
K = 2          # num_experts_per_tok
H = 1024       # hidden_size
I = 512        # moe_intermediate_size
IS = 512       # shared expert intermediate (moe_intermediate_size * num_shared_experts)
B = 1
S = 2048
NORM_TOPK = True
ROUTED_SCALE = 1.0


def setup_inputs(seed: int = 0) -> dict:
    key = jax.random.key(seed)
    ks = jax.random.split(key, 8)
    hidden_states = jax.random.normal(ks[0], (B, S, H), dtype=jnp.float32)
    gate_w = jax.random.normal(ks[1], (E, H), dtype=jnp.float32) * 0.02
    w_gate = jax.random.normal(ks[2], (E, H, I), dtype=jnp.float32) * 0.02
    w_up = jax.random.normal(ks[3], (E, H, I), dtype=jnp.float32) * 0.02
    w_down = jax.random.normal(ks[4], (E, I, H), dtype=jnp.float32) * 0.02
    sw_gate = jax.random.normal(ks[5], (H, IS), dtype=jnp.float32) * 0.02
    sw_up = jax.random.normal(ks[6], (H, IS), dtype=jnp.float32) * 0.02
    sw_down = jax.random.normal(ks[7], (IS, H), dtype=jnp.float32) * 0.02
    return {
        "hidden_states": hidden_states,
        "gate_w": gate_w,
        "w_gate": w_gate,
        "w_up": w_up,
        "w_down": w_down,
        "sw_gate": sw_gate,
        "sw_up": sw_up,
        "sw_down": sw_down,
    }


def reference(hidden_states, gate_w, w_gate, w_up, w_down, sw_gate, sw_up, sw_down):
    b, s, h = hidden_states.shape
    x = hidden_states.reshape(-1, h)  # [T, H]
    T = x.shape[0]

    # --- router (LLaDA2Gate): fp32 linear, no bias ---
    router_logits = x.astype(jnp.float32) @ gate_w.T  # [T, E]
    # score_function == softmax, correction_bias is None
    probs = jax.nn.softmax(router_logits, axis=-1)
    topk_vals, topk_idx = jax.lax.top_k(probs, K)  # [T, K]
    if NORM_TOPK:
        topk_vals = topk_vals / (jnp.sum(topk_vals, axis=-1, keepdims=True) + 1e-20)
    topk_vals = topk_vals * ROUTED_SCALE

    # dense combine weights [T, E] (zero for non-selected experts)
    combine = jnp.zeros((T, E), dtype=x.dtype).at[
        jnp.arange(T)[:, None], topk_idx
    ].add(topk_vals.astype(x.dtype))

    # --- routed experts (FusedMoE, SiLU-and-mul MLP per expert) ---
    out = jnp.zeros_like(x)
    for e in range(E):
        g = x @ w_gate[e]
        u = x @ w_up[e]
        hcur = jax.nn.silu(g) * u
        out = out + combine[:, e : e + 1] * (hcur @ w_down[e])

    # --- shared experts (LLaDA2MLP with SiluAndMul) ---
    shared = (jax.nn.silu(x @ sw_gate) * (x @ sw_up)) @ sw_down

    final = out + shared
    return final.reshape(b, s, h)

if __name__ == "__main__":
    import jax
    _d = setup_inputs()
    print(jax.jit(kernel)(*tuple(_d.values())))

</pallas_src>

<mosaic_0001>
#map = affine_map<(d0, d1) -> (0, 0)>
module attributes {stable_mosaic.version = 14 : i64} {
  func.func @k4a(%arg0: i32, %arg1: i32, %arg2: memref<5120x1024xf32, #tpu.memory_space<hbm>>, %arg3: memref<64x64xi32, #tpu.memory_space<hbm>>, %arg4: memref<2048x1024xf32, #tpu.memory_space<hbm>>, %arg5: memref<2048x1024xf32, #tpu.memory_space<hbm>>, %arg6: memref<64xi32, #tpu.memory_space<vmem>>, %arg7: memref<64x1024xf32, #tpu.memory_space<vmem>>, %arg8: memref<!tpu.dma_semaphore, #tpu.memory_space<semaphore_mem>>) attributes {dimension_semantics = [#tpu.dimension_semantics<core_parallel>, #tpu.dimension_semantics<subcore_parallel>], iteration_bounds = array<i64: 2, 16>, scalar_prefetch = 0 : i64, scratch_operands = 3 : i64, tpu.core_type = #tpu.core_type<sc_vector_subcore>, window_params = [{transform_indices = #map}, {transform_indices = #map}, {transform_indices = #map}, {transform_indices = #map}]} {
    %mul3A = arith.constant 2 : i32
    %mul3A_0 = arith.muli %arg1, %mul3A : i32
    %add3A = arith.addi %mul3A_0, %arg0 : i32
    %mul3A_1 = arith.constant 64 : i32
    %mul3A_2 = arith.muli %add3A, %mul3A_1 : i32
    "tpu.region"() ({
      %run_scoped3A = tpu.sem_alloc : memref<!tpu.dma_semaphore, #tpu.memory_space<semaphore_mem>>
      %dma_start3A_15 = arith.constant 0 : i32
      %dma_start3A_16 = tpu.memref_slice %arg3[%add3A, %dma_start3A_15] : memref<64x64xi32, #tpu.memory_space<hbm>> -> memref<1x64xi32, #tpu.memory_space<hbm>>
      %dma_start3A_17 = tpu.memref_squeeze %dma_start3A_16 : memref<1x64xi32, #tpu.memory_space<hbm>> -> memref<64xi32, #tpu.memory_space<hbm>>
      %dma_start3A_18 = arith.constant 0 : i32
      %dma_start3A_19 = tpu.memref_slice %arg3[%add3A, %dma_start3A_18] : memref<64x64xi32, #tpu.memory_space<hbm>> -> memref<1x64xi32, #tpu.memory_space<hbm>>
      %dma_start3A_20 = tpu.memref_squeeze %dma_start3A_19 : memref<1x64xi32, #tpu.memory_space<hbm>> -> memref<64xi32, #tpu.memory_space<hbm>>
      tpu.enqueue_dma source(%dma_start3A_20 : memref<64xi32, #tpu.memory_space<hbm>>) target(%arg6 : memref<64xi32, #tpu.memory_space<vmem>>) target_semaphore(%run_scoped3A : memref<!tpu.dma_semaphore, #tpu.memory_space<semaphore_mem>>)
      %dma_wait3A_21 = arith.constant 0 : i32
      %dma_wait3A_22 = tpu.memref_slice %arg3[%add3A, %dma_wait3A_21] : memref<64x64xi32, #tpu.memory_space<hbm>> -> memref<1x64xi32, #tpu.memory_space<hbm>>
      %dma_wait3A_23 = tpu.memref_squeeze %dma_wait3A_22 : memref<1x64xi32, #tpu.memory_space<hbm>> -> memref<64xi32, #tpu.memory_space<hbm>>
      %dma_wait3A_24 = arith.constant 0 : i32
      %dma_wait3A_25 = tpu.memref_slice %arg3[%add3A, %dma_wait3A_24] : memref<64x64xi32, #tpu.memory_space<hbm>> -> memref<1x64xi32, #tpu.memory_space<hbm>>
      %dma_wait3A_26 = tpu.memref_squeeze %dma_wait3A_25 : memref<1x64xi32, #tpu.memory_space<hbm>> -> memref<64xi32, #tpu.memory_space<hbm>>
      tpu.wait_dma2 semaphore(%run_scoped3A : memref<!tpu.dma_semaphore, #tpu.memory_space<semaphore_mem>>) src(%dma_wait3A_26 : memref<64xi32, #tpu.memory_space<hbm>>) dst(%arg6 : memref<64xi32, #tpu.memory_space<vmem>>)
      tpu.yield
    }) : () -> ()
    %dma_start3A = arith.constant 0 : i32
    %dma_start3A_3 = arith.constant 0 : i32
    %dma_start3A_4 = tpu.memref_slice %arg2[%dma_start3A, %dma_start3A_3] : memref<5120x1024xf32, #tpu.memory_space<hbm>> -> memref<5120x1024xf32, #tpu.memory_space<hbm>>
    tpu.enqueue_indirect_dma source(%dma_start3A_4 : memref<5120x1024xf32, #tpu.memory_space<hbm>>) target(%arg7 : memref<64x1024xf32, #tpu.memory_space<vmem>>) offsets(%arg6 : memref<64xi32, #tpu.memory_space<vmem>>) semaphore(%arg8 : memref<!tpu.dma_semaphore, #tpu.memory_space<semaphore_mem>>)
    %dma_wait3A = arith.constant 0 : i32
    %dma_wait3A_5 = arith.constant 0 : i32
    %dma_wait3A_6 = tpu.memref_slice %arg2[%dma_wait3A, %dma_wait3A_5] : memref<5120x1024xf32, #tpu.memory_space<hbm>> -> memref<5120x1024xf32, #tpu.memory_space<hbm>>
    tpu.wait_indirect_dma semaphore(%arg8 : memref<!tpu.dma_semaphore, #tpu.memory_space<semaphore_mem>>) src(%dma_wait3A_6 : memref<5120x1024xf32, #tpu.memory_space<hbm>>) dst(%arg7 : memref<64x1024xf32, #tpu.memory_space<vmem>>)
    "tpu.region"() ({
      %run_scoped3A = tpu.sem_alloc : memref<!tpu.dma_semaphore, #tpu.memory_space<semaphore_mem>>
      %dma_start3A_15 = arith.constant 0 : i32
      %dma_start3A_16 = tpu.memref_slice %arg4[%mul3A_2, %dma_start3A_15] : memref<2048x1024xf32, #tpu.memory_space<hbm>> -> memref<64x1024xf32, #tpu.memory_space<hbm>>
      %dma_start3A_17 = arith.constant 0 : i32
      %dma_start3A_18 = tpu.memref_slice %arg4[%mul3A_2, %dma_start3A_17] : memref<2048x1024xf32, #tpu.memory_space<hbm>> -> memref<64x1024xf32, #tpu.memory_space<hbm>>
      tpu.enqueue_dma source(%arg7 : memref<64x1024xf32, #tpu.memory_space<vmem>>) target(%dma_start3A_18 : memref<64x1024xf32, #tpu.memory_space<hbm>>) target_semaphore(%run_scoped3A : memref<!tpu.dma_semaphore, #tpu.memory_space<semaphore_mem>>)
      %dma_wait3A_19 = arith.constant 0 : i32
      %dma_wait3A_20 = tpu.memref_slice %arg4[%mul3A_2, %dma_wait3A_19] : memref<2048x1024xf32, #tpu.memory_space<hbm>> -> memref<64x1024xf32, #tpu.memory_space<hbm>>
      %dma_wait3A_21 = arith.constant 0 : i32
      %dma_wait3A_22 = tpu.memref_slice %arg4[%mul3A_2, %dma_wait3A_21] : memref<2048x1024xf32, #tpu.memory_space<hbm>> -> memref<64x1024xf32, #tpu.memory_space<hbm>>
      tpu.wait_dma2 semaphore(%run_scoped3A : memref<!tpu.dma_semaphore, #tpu.memory_space<semaphore_mem>>) src(%arg7 : memref<64x1024xf32, #tpu.memory_space<vmem>>) dst(%dma_wait3A_22 : memref<64x1024xf32, #tpu.memory_space<hbm>>)
      tpu.yield
    }) : () -> ()
    %add3A_7 = arith.constant 32 : i32
    %add3A_8 = arith.addi %add3A_7, %add3A : i32
    "tpu.region"() ({
      %run_scoped3A = tpu.sem_alloc : memref<!tpu.dma_semaphore, #tpu.memory_space<semaphore_mem>>
      %dma_start3A_15 = arith.constant 0 : i32
      %dma_start3A_16 = tpu.memref_slice %arg3[%add3A_8, %dma_start3A_15] : memref<64x64xi32, #tpu.memory_space<hbm>> -> memref<1x64xi32, #tpu.memory_space<hbm>>
      %dma_start3A_17 = tpu.memref_squeeze %dma_start3A_16 : memref<1x64xi32, #tpu.memory_space<hbm>> -> memref<64xi32, #tpu.memory_space<hbm>>
      %dma_start3A_18 = arith.constant 0 : i32
      %dma_start3A_19 = tpu.memref_slice %arg3[%add3A_8, %dma_start3A_18] : memref<64x64xi32, #tpu.memory_space<hbm>> -> memref<1x64xi32, #tpu.memory_space<hbm>>
      %dma_start3A_20 = tpu.memref_squeeze %dma_start3A_19 : memref<1x64xi32, #tpu.memory_space<hbm>> -> memref<64xi32, #tpu.memory_space<hbm>>
      tpu.enqueue_dma source(%dma_start3A_20 : memref<64xi32, #tpu.memory_space<hbm>>) target(%arg6 : memref<64xi32, #tpu.memory_space<vmem>>) target_semaphore(%run_scoped3A : memref<!tpu.dma_semaphore, #tpu.memory_space<semaphore_mem>>)
      %dma_wait3A_21 = arith.constant 0 : i32
      %dma_wait3A_22 = tpu.memref_slice %arg3[%add3A_8, %dma_wait3A_21] : memref<64x64xi32, #tpu.memory_space<hbm>> -> memref<1x64xi32, #tpu.memory_space<hbm>>
      %dma_wait3A_23 = tpu.memref_squeeze %dma_wait3A_22 : memref<1x64xi32, #tpu.memory_space<hbm>> -> memref<64xi32, #tpu.memory_space<hbm>>
      %dma_wait3A_24 = arith.constant 0 : i32
      %dma_wait3A_25 = tpu.memref_slice %arg3[%add3A_8, %dma_wait3A_24] : memref<64x64xi32, #tpu.memory_space<hbm>> -> memref<1x64xi32, #tpu.memory_space<hbm>>
      %dma_wait3A_26 = tpu.memref_squeeze %dma_wait3A_25 : memref<1x64xi32, #tpu.memory_space<hbm>> -> memref<64xi32, #tpu.memory_space<hbm>>
      tpu.wait_dma2 semaphore(%run_scoped3A : memref<!tpu.dma_semaphore, #tpu.memory_space<semaphore_mem>>) src(%dma_wait3A_26 : memref<64xi32, #tpu.memory_space<hbm>>) dst(%arg6 : memref<64xi32, #tpu.memory_space<vmem>>)
      tpu.yield
    }) : () -> ()
    %dma_start3A_9 = arith.constant 0 : i32
    %dma_start3A_10 = arith.constant 0 : i32
    %dma_start3A_11 = tpu.memref_slice %arg2[%dma_start3A_9, %dma_start3A_10] : memref<5120x1024xf32, #tpu.memory_space<hbm>> -> memref<5120x1024xf32, #tpu.memory_space<hbm>>
    tpu.enqueue_indirect_dma source(%dma_start3A_11 : memref<5120x1024xf32, #tpu.memory_space<hbm>>) target(%arg7 : memref<64x1024xf32, #tpu.memory_space<vmem>>) offsets(%arg6 : memref<64xi32, #tpu.memory_space<vmem>>) semaphore(%arg8 : memref<!tpu.dma_semaphore, #tpu.memory_space<semaphore_mem>>)
    %dma_wait3A_12 = arith.constant 0 : i32
    %dma_wait3A_13 = arith.constant 0 : i32
    %dma_wait3A_14 = tpu.memref_slice %arg2[%dma_wait3A_12, %dma_wait3A_13] : memref<5120x1024xf32, #tpu.memory_space<hbm>> -> memref<5120x1024xf32, #tpu.memory_space<hbm>>
    tpu.wait_indirect_dma semaphore(%arg8 : memref<!tpu.dma_semaphore, #tpu.memory_space<semaphore_mem>>) src(%dma_wait3A_14 : memref<5120x1024xf32, #tpu.memory_space<hbm>>) dst(%arg7 : memref<64x1024xf32, #tpu.memory_space<vmem>>)
    "tpu.region"() ({
      %run_scoped3A = tpu.sem_alloc : memref<!tpu.dma_semaphore, #tpu.memory_space<semaphore_mem>>
      %dma_start3A_15 = arith.constant 0 : i32
      %dma_start3A_16 = tpu.memref_slice %arg5[%mul3A_2, %dma_start3A_15] : memref<2048x1024xf32, #tpu.memory_space<hbm>> -> memref<64x1024xf32, #tpu.memory_space<hbm>>
      %dma_start3A_17 = arith.constant 0 : i32
      %dma_start3A_18 = tpu.memref_slice %arg5[%mul3A_2, %dma_start3A_17] : memref<2048x1024xf32, #tpu.memory_space<hbm>> -> memref<64x1024xf32, #tpu.memory_space<hbm>>
      tpu.enqueue_dma source(%arg7 : memref<64x1024xf32, #tpu.memory_space<vmem>>) target(%dma_start3A_18 : memref<64x1024xf32, #tpu.memory_space<hbm>>) target_semaphore(%run_scoped3A : memref<!tpu.dma_semaphore, #tpu.memory_space<semaphore_mem>>)
      %dma_wait3A_19 = arith.constant 0 : i32
      %dma_wait3A_20 = tpu.memref_slice %arg5[%mul3A_2, %dma_wait3A_19] : memref<2048x1024xf32, #tpu.memory_space<hbm>> -> memref<64x1024xf32, #tpu.memory_space<hbm>>
      %dma_wait3A_21 = arith.constant 0 : i32
      %dma_wait3A_22 = tpu.memref_slice %arg5[%mul3A_2, %dma_wait3A_21] : memref<2048x1024xf32, #tpu.memory_space<hbm>> -> memref<64x1024xf32, #tpu.memory_space<hbm>>
      tpu.wait_dma2 semaphore(%run_scoped3A : memref<!tpu.dma_semaphore, #tpu.memory_space<semaphore_mem>>) src(%arg7 : memref<64x1024xf32, #tpu.memory_space<vmem>>) dst(%dma_wait3A_22 : memref<64x1024xf32, #tpu.memory_space<hbm>>)
      tpu.yield
    }) : () -> ()
    return
  }
}

#map = affine_map<(d0, d1) -> (0, 0)>
module attributes {stable_mosaic.version = 14 : i64} {
  func.func @k2(%arg0: i32, %arg1: i32, %arg2: memref<2048x1024xf32, #tpu.memory_space<hbm>>, %arg3: memref<64x64xi32, #tpu.memory_space<hbm>>, %arg4: memref<5120x1024xf32, #tpu.memory_space<hbm>>, %arg5: memref<64xi32, #tpu.memory_space<vmem>>, %arg6: memref<64x1024xf32, #tpu.memory_space<vmem>>, %arg7: memref<!tpu.dma_semaphore, #tpu.memory_space<semaphore_mem>>) attributes {dimension_semantics = [#tpu.dimension_semantics<core_parallel>, #tpu.dimension_semantics<subcore_parallel>], iteration_bounds = array<i64: 2, 16>, scalar_prefetch = 0 : i64, scratch_operands = 3 : i64, tpu.core_type = #tpu.core_type<sc_vector_subcore>, window_params = [{transform_indices = #map}, {transform_indices = #map}, {transform_indices = #map}]} {
    %mul3A = arith.constant 2 : i32
    %mul3A_0 = arith.muli %arg1, %mul3A : i32
    %add3A = arith.addi %mul3A_0, %arg0 : i32
    %jit3A = arith.constant 16 : i32
    %div3A = arith.divsi %add3A, %jit3A : i32
    %sign3A = arith.constant 0 : i32
    %sign3A_1 = arith.cmpi sgt, %add3A, %sign3A : i32
    %sign3A_2 = arith.extui %sign3A_1 : i1 to i32
    %sign3A_3 = arith.constant 0 : i32
    %sign3A_4 = arith.cmpi slt, %add3A, %sign3A_3 : i32
    %sign3A_5 = arith.extui %sign3A_4 : i1 to i32
    %sign3A_6 = arith.subi %sign3A_2, %sign3A_5 : i32
    %sign3A_7 = arith.constant 0 : i32
    %sign3A_8 = arith.cmpi sgt, %jit3A, %sign3A_7 : i32
    %sign3A_9 = arith.extui %sign3A_8 : i1 to i32
    %sign3A_10 = arith.constant 0 : i32
    %sign3A_11 = arith.cmpi slt, %jit3A, %sign3A_10 : i32
    %sign3A_12 = arith.extui %sign3A_11 : i1 to i32
    %sign3A_13 = arith.subi %sign3A_9, %sign3A_12 : i32
    %ne3A = arith.cmpi ne, %sign3A_6, %sign3A_13 : i32
    %rem3A = arith.remsi %add3A, %jit3A : i32
    %ne3A_14 = arith.constant 0 : i32
    %ne3A_15 = arith.cmpi ne, %rem3A, %ne3A_14 : i32
    %and3A = arith.andi %ne3A, %ne3A_15 : i1
    %sub3A = arith.constant 1 : i32
    %sub3A_16 = arith.subi %div3A, %sub3A : i32
    %select_n3A = arith.select %and3A, %sub3A_16, %div3A : i32
    %jit3A_17 = arith.constant 16 : i32
    %eq3A = arith.constant 0 : i32
    %eq3A_18 = arith.cmpi eq, %jit3A_17, %eq3A : i32
    %jit3A_19 = arith.constant 1 : i32
    %select_n3A_20 = arith.select %eq3A_18, %jit3A_19, %jit3A_17 : i32
    %rem3A_21 = arith.remsi %add3A, %select_n3A_20 : i32
    %ne3A_22 = arith.constant 0 : i32
    %ne3A_23 = arith.cmpi ne, %rem3A_21, %ne3A_22 : i32
    %lt3A = arith.constant 0 : i32
    %lt3A_24 = arith.cmpi slt, %rem3A_21, %lt3A : i32
    %lt3A_25 = arith.constant 0 : i32
    %lt3A_26 = arith.cmpi slt, %select_n3A_20, %lt3A_25 : i32
    %ne3A_27 = arith.xori %lt3A_24, %lt3A_26 : i1
    %and3A_28 = arith.andi %ne3A_27, %ne3A_23 : i1
    %add3A_29 = arith.addi %rem3A_21, %select_n3A_20 : i32
    %select_n3A_30 = arith.select %and3A_28, %add3A_29, %rem3A_21 : i32
    %mul3A_31 = arith.constant 2 : i32
    %mul3A_32 = arith.muli %mul3A_31, %select_n3A_30 : i32
    %add3A_33 = arith.constant 0 : i32
    %add3A_34 = arith.addi %mul3A_32, %add3A_33 : i32
    %mul3A_35 = arith.constant 64 : i32
    %mul3A_36 = arith.muli %mul3A_35, %add3A_34 : i32
    "tpu.region"() ({
      %run_scoped3A = tpu.sem_alloc : memref<!tpu.dma_semaphore, #tpu.memory_space<semaphore_mem>>
      %dma_start3A_67 = arith.constant 0 : i32
      %dma_start3A_68 = tpu.memref_slice %arg2[%mul3A_36, %dma_start3A_67] : memref<2048x1024xf32, #tpu.memory_space<hbm>> -> memref<64x1024xf32, #tpu.memory_space<hbm>>
      %dma_start3A_69 = arith.constant 0 : i32
      %dma_start3A_70 = tpu.memref_slice %arg2[%mul3A_36, %dma_start3A_69] : memref<2048x1024xf32, #tpu.memory_space<hbm>> -> memref<64x1024xf32, #tpu.memory_space<hbm>>
      tpu.enqueue_dma source(%dma_start3A_70 : memref<64x1024xf32, #tpu.memory_space<hbm>>) target(%arg6 : memref<64x1024xf32, #tpu.memory_space<vmem>>) target_semaphore(%run_scoped3A : memref<!tpu.dma_semaphore, #tpu.memory_space<semaphore_mem>>)
      %dma_wait3A_71 = arith.constant 0 : i32
      %dma_wait3A_72 = tpu.memref_slice %arg2[%mul3A_36, %dma_wait3A_71] : memref<2048x1024xf32, #tpu.memory_space<hbm>> -> memref<64x1024xf32, #tpu.memory_space<hbm>>
      %dma_wait3A_73 = arith.constant 0 : i32
      %dma_wait3A_74 = tpu.memref_slice %arg2[%mul3A_36, %dma_wait3A_73] : memref<2048x1024xf32, #tpu.memory_space<hbm>> -> memref<64x1024xf32, #tpu.memory_space<hbm>>
      tpu.wait_dma2 semaphore(%run_scoped3A : memref<!tpu.dma_semaphore, #tpu.memory_space<semaphore_mem>>) src(%dma_wait3A_74 : memref<64x1024xf32, #tpu.memory_space<hbm>>) dst(%arg6 : memref<64x1024xf32, #tpu.memory_space<vmem>>)
      tpu.yield
    }) : () -> ()
    %mul3A_37 = arith.constant 32 : i32
    %mul3A_38 = arith.muli %select_n3A, %mul3A_37 : i32
    %mul3A_39 = arith.constant 2 : i32
    %mul3A_40 = arith.muli %mul3A_39, %select_n3A_30 : i32
    %add3A_41 = arith.addi %mul3A_38, %mul3A_40 : i32
    %add3A_42 = arith.constant 0 : i32
    %add3A_43 = arith.addi %add3A_41, %add3A_42 : i32
    "tpu.region"() ({
      %run_scoped3A = tpu.sem_alloc : memref<!tpu.dma_semaphore, #tpu.memory_space<semaphore_mem>>
      %dma_start3A_67 = arith.constant 0 : i32
      %dma_start3A_68 = tpu.memref_slice %arg3[%add3A_43, %dma_start3A_67] : memref<64x64xi32, #tpu.memory_space<hbm>> -> memref<1x64xi32, #tpu.memory_space<hbm>>
      %dma_start3A_69 = tpu.memref_squeeze %dma_start3A_68 : memref<1x64xi32, #tpu.memory_space<hbm>> -> memref<64xi32, #tpu.memory_space<hbm>>
      %dma_start3A_70 = arith.constant 0 : i32
      %dma_start3A_71 = tpu.memref_slice %arg3[%add3A_43, %dma_start3A_70] : memref<64x64xi32, #tpu.memory_space<hbm>> -> memref<1x64xi32, #tpu.memory_space<hbm>>
      %dma_start3A_72 = tpu.memref_squeeze %dma_start3A_71 : memref<1x64xi32, #tpu.memory_space<hbm>> -> memref<64xi32, #tpu.memory_space<hbm>>
      tpu.enqueue_dma source(%dma_start3A_72 : memref<64xi32, #tpu.memory_space<hbm>>) target(%arg5 : memref<64xi32, #tpu.memory_space<vmem>>) target_semaphore(%run_scoped3A : memref<!tpu.dma_semaphore, #tpu.memory_space<semaphore_mem>>)
      %dma_wait3A_73 = arith.constant 0 : i32
      %dma_wait3A_74 = tpu.memref_slice %arg3[%add3A_43, %dma_wait3A_73] : memref<64x64xi32, #tpu.memory_space<hbm>> -> memref<1x64xi32, #tpu.memory_space<hbm>>
      %dma_wait3A_75 = tpu.memref_squeeze %dma_wait3A_74 : memref<1x64xi32, #tpu.memory_space<hbm>> -> memref<64xi32, #tpu.memory_space<hbm>>
      %dma_wait3A_76 = arith.constant 0 : i32
      %dma_wait3A_77 = tpu.memref_slice %arg3[%add3A_43, %dma_wait3A_76] : memref<64x64xi32, #tpu.memory_space<hbm>> -> memref<1x64xi32, #tpu.memory_space<hbm>>
      %dma_wait3A_78 = tpu.memref_squeeze %dma_wait3A_77 : memref<1x64xi32, #tpu.memory_space<hbm>> -> memref<64xi32, #tpu.memory_space<hbm>>
      tpu.wait_dma2 semaphore(%run_scoped3A : memref<!tpu.dma_semaphore, #tpu.memory_space<semaphore_mem>>) src(%dma_wait3A_78 : memref<64xi32, #tpu.memory_space<hbm>>) dst(%arg5 : memref<64xi32, #tpu.memory_space<vmem>>)
      tpu.yield
    }) : () -> ()
    %dma_start3A = arith.constant 0 : i32
    %dma_start3A_44 = arith.constant 0 : i32
    %dma_start3A_45 = tpu.memref_slice %arg4[%dma_start3A, %dma_start3A_44] : memref<5120x1024xf32, #tpu.memory_space<hbm>> -> memref<5120x1024xf32, #tpu.memory_space<hbm>>
    tpu.enqueue_indirect_dma source(%arg6 : memref<64x1024xf32, #tpu.memory_space<vmem>>) target(%dma_start3A_45 : memref<5120x1024xf32, #tpu.memory_space<hbm>>) offsets(%arg5 : memref<64xi32, #tpu.memory_space<vmem>>) semaphore(%arg7 : memref<!tpu.dma_semaphore, #tpu.memory_space<semaphore_mem>>)
    %dma_wait3A = arith.constant 0 : i32
    %dma_wait3A_46 = arith.constant 0 : i32
    %dma_wait3A_47 = tpu.memref_slice %arg4[%dma_wait3A, %dma_wait3A_46] : memref<5120x1024xf32, #tpu.memory_space<hbm>> -> memref<5120x1024xf32, #tpu.memory_space<hbm>>
    tpu.wait_indirect_dma semaphore(%arg7 : memref<!tpu.dma_semaphore, #tpu.memory_space<semaphore_mem>>) src(%arg6 : memref<64x1024xf32, #tpu.memory_space<vmem>>) dst(%dma_wait3A_47 : memref<5120x1024xf32, #tpu.memory_space<hbm>>)
    %mul3A_48 = arith.constant 2 : i32
    %mul3A_49 = arith.muli %mul3A_48, %select_n3A_30 : i32
    %add3A_50 = arith.constant 1 : i32
    %add3A_51 = arith.addi %mul3A_49, %add3A_50 : i32
    %mul3A_52 = arith.constant 64 : i32
    %mul3A_53 = arith.muli %mul3A_52, %add3A_51 : i32
    "tpu.region"() ({
      %run_scoped3A = tpu.sem_alloc : memref<!tpu.dma_semaphore, #tpu.memory_space<semaphore_mem>>
      %dma_start3A_67 = arith.constant 0 : i32
      %dma_start3A_68 = tpu.memref_slice %arg2[%mul3A_53, %dma_start3A_67] : memref<2048x1024xf32, #tpu.memory_space<hbm>> -> memref<64x1024xf32, #tpu.memory_space<hbm>>
      %dma_start3A_69 = arith.constant 0 : i32
      %dma_start3A_70 = tpu.memref_slice %arg2[%mul3A_53, %dma_start3A_69] : memref<2048x1024xf32, #tpu.memory_space<hbm>> -> memref<64x1024xf32, #tpu.memory_space<hbm>>
      tpu.enqueue_dma source(%dma_start3A_70 : memref<64x1024xf32, #tpu.memory_space<hbm>>) target(%arg6 : memref<64x1024xf32, #tpu.memory_space<vmem>>) target_semaphore(%run_scoped3A : memref<!tpu.dma_semaphore, #tpu.memory_space<semaphore_mem>>)
      %dma_wait3A_71 = arith.constant 0 : i32
      %dma_wait3A_72 = tpu.memref_slice %arg2[%mul3A_53, %dma_wait3A_71] : memref<2048x1024xf32, #tpu.memory_space<hbm>> -> memref<64x1024xf32, #tpu.memory_space<hbm>>
      %dma_wait3A_73 = arith.constant 0 : i32
      %dma_wait3A_74 = tpu.memref_slice %arg2[%mul3A_53, %dma_wait3A_73] : memref<2048x1024xf32, #tpu.memory_space<hbm>> -> memref<64x1024xf32, #tpu.memory_space<hbm>>
      tpu.wait_dma2 semaphore(%run_scoped3A : memref<!tpu.dma_semaphore, #tpu.memory_space<semaphore_mem>>) src(%dma_wait3A_74 : memref<64x1024xf32, #tpu.memory_space<hbm>>) dst(%arg6 : memref<64x1024xf32, #tpu.memory_space<vmem>>)
      tpu.yield
    }) : () -> ()
    %mul3A_54 = arith.constant 32 : i32
    %mul3A_55 = arith.muli %select_n3A, %mul3A_54 : i32
    %mul3A_56 = arith.constant 2 : i32
    %mul3A_57 = arith.muli %mul3A_56, %select_n3A_30 : i32
    %add3A_58 = arith.addi %mul3A_55, %mul3A_57 : i32
    %add3A_59 = arith.constant 1 : i32
    %add3A_60 = arith.addi %add3A_58, %add3A_59 : i32
    "tpu.region"() ({
      %run_scoped3A = tpu.sem_alloc : memref<!tpu.dma_semaphore, #tpu.memory_space<semaphore_mem>>
      %dma_start3A_67 = arith.constant 0 : i32
      %dma_start3A_68 = tpu.memref_slice %arg3[%add3A_60, %dma_start3A_67] : memref<64x64xi32, #tpu.memory_space<hbm>> -> memref<1x64xi32, #tpu.memory_space<hbm>>
      %dma_start3A_69 = tpu.memref_squeeze %dma_start3A_68 : memref<1x64xi32, #tpu.memory_space<hbm>> -> memref<64xi32, #tpu.memory_space<hbm>>
      %dma_start3A_70 = arith.constant 0 : i32
      %dma_start3A_71 = tpu.memref_slice %arg3[%add3A_60, %dma_start3A_70] : memref<64x64xi32, #tpu.memory_space<hbm>> -> memref<1x64xi32, #tpu.memory_space<hbm>>
      %dma_start3A_72 = tpu.memref_squeeze %dma_start3A_71 : memref<1x64xi32, #tpu.memory_space<hbm>> -> memref<64xi32, #tpu.memory_space<hbm>>
      tpu.enqueue_dma source(%dma_start3A_72 : memref<64xi32, #tpu.memory_space<hbm>>) target(%arg5 : memref<64xi32, #tpu.memory_space<vmem>>) target_semaphore(%run_scoped3A : memref<!tpu.dma_semaphore, #tpu.memory_space<semaphore_mem>>)
      %dma_wait3A_73 = arith.constant 0 : i32
      %dma_wait3A_74 = tpu.memref_slice %arg3[%add3A_60, %dma_wait3A_73] : memref<64x64xi32, #tpu.memory_space<hbm>> -> memref<1x64xi32, #tpu.memory_space<hbm>>
      %dma_wait3A_75 = tpu.memref_squeeze %dma_wait3A_74 : memref<1x64xi32, #tpu.memory_space<hbm>> -> memref<64xi32, #tpu.memory_space<hbm>>
      %dma_wait3A_76 = arith.constant 0 : i32
      %dma_wait3A_77 = tpu.memref_slice %arg3[%add3A_60, %dma_wait3A_76] : memref<64x64xi32, #tpu.memory_space<hbm>> -> memref<1x64xi32, #tpu.memory_space<hbm>>
      %dma_wait3A_78 = tpu.memref_squeeze %dma_wait3A_77 : memref<1x64xi32, #tpu.memory_space<hbm>> -> memref<64xi32, #tpu.memory_space<hbm>>
      tpu.wait_dma2 semaphore(%run_scoped3A : memref<!tpu.dma_semaphore, #tpu.memory_space<semaphore_mem>>) src(%dma_wait3A_78 : memref<64xi32, #tpu.memory_space<hbm>>) dst(%arg5 : memref<64xi32, #tpu.memory_space<vmem>>)
      tpu.yield
    }) : () -> ()
    %dma_start3A_61 = arith.constant 0 : i32
    %dma_start3A_62 = arith.constant 0 : i32
    %dma_start3A_63 = tpu.memref_slice %arg4[%dma_start3A_61, %dma_start3A_62] : memref<5120x1024xf32, #tpu.memory_space<hbm>> -> memref<5120x1024xf32, #tpu.memory_space<hbm>>
    tpu.enqueue_indirect_dma source(%arg6 : memref<64x1024xf32, #tpu.memory_space<vmem>>) target(%dma_start3A_63 : memref<5120x1024xf32, #tpu.memory_space<hbm>>) offsets(%arg5 : memref<64xi32, #tpu.memory_space<vmem>>) semaphore(%arg7 : memref<!tpu.dma_semaphore, #tpu.memory_space<semaphore_mem>>)
    %dma_wait3A_64 = arith.constant 0 : i32
    %dma_wait3A_65 = arith.constant 0 : i32
    %dma_wait3A_66 = tpu.memref_slice %arg4[%dma_wait3A_64, %dma_wait3A_65] : memref<5120x1024xf32, #tpu.memory_space<hbm>> -> memref<5120x1024xf32, #tpu.memory_space<hbm>>
    tpu.wait_indirect_dma semaphore(%arg7 : memref<!tpu.dma_semaphore, #tpu.memory_space<semaphore_mem>>) src(%arg6 : memref<64x1024xf32, #tpu.memory_space<vmem>>) dst(%dma_wait3A_66 : memref<5120x1024xf32, #tpu.memory_space<hbm>>)
    return
  }
}

module attributes {stable_mosaic.version = 14 : i64} {
  func.func @_k1_body(%arg0: i32, %arg1: memref<2048x1024xf32, #tpu.memory_space<vmem>>, %arg2: memref<8x1024xf32, #tpu.memory_space<vmem>>, %arg3: memref<1024x512xf32, #tpu.memory_space<vmem>>, %arg4: memref<1024x512xf32, #tpu.memory_space<vmem>>, %arg5: memref<512x1024xf32, #tpu.memory_space<vmem>>, %arg6: memref<2048x1024xf32, #tpu.memory_space<vmem>>, %arg7: memref<2048x1xi32, #tpu.memory_space<vmem>>, %arg8: memref<2048x1xi32, #tpu.memory_space<vmem>>, %arg9: memref<2048x1xf32, #tpu.memory_space<vmem>>, %arg10: memref<2048x1xf32, #tpu.memory_space<vmem>>, %arg11: memref<8x64xi32, #tpu.memory_space<vmem>>) attributes {dimension_semantics = [#tpu.dimension_semantics<arbitrary>], iteration_bounds = array<i64: 1>, scalar_prefetch = 0 : i64, scratch_operands = 0 : i64, tpu.core_type = #tpu.core_type<tc>, window_params = [{pipeline_mode = #tpu.pipeline_mode<synchronous>, transform_indices = @transform_0, window_bounds = array<i64: 2048, 1024>}, {pipeline_mode = #tpu.pipeline_mode<synchronous>, transform_indices = @transform_1, window_bounds = array<i64: 8, 1024>}, {pipeline_mode = #tpu.pipeline_mode<synchronous>, transform_indices = @transform_2, window_bounds = array<i64: 1024, 512>}, {pipeline_mode = #tpu.pipeline_mode<synchronous>, transform_indices = @transform_3, window_bounds = array<i64: 1024, 512>}, {pipeline_mode = #tpu.pipeline_mode<synchronous>, transform_indices = @transform_4, window_bounds = array<i64: 512, 1024>}, {pipeline_mode = #tpu.pipeline_mode<synchronous>, transform_indices = @transform_5, window_bounds = array<i64: 2048, 1024>}, {pipeline_mode = #tpu.pipeline_mode<synchronous>, transform_indices = @transform_6, window_bounds = array<i64: 2048, 1>}, {pipeline_mode = #tpu.pipeline_mode<synchronous>, transform_indices = @transform_7, window_bounds = array<i64: 2048, 1>}, {pipeline_mode = #tpu.pipeline_mode<synchronous>, transform_indices = @transform_8, window_bounds = array<i64: 2048, 1>}, {pipeline_mode = #tpu.pipeline_mode<synchronous>, transform_indices = @transform_9, window_bounds = array<i64: 2048, 1>}, {pipeline_mode = #tpu.pipeline_mode<synchronous>, transform_indices = @transform_10, window_bounds = array<i64: 8, 64>}]} {
    %get3A = arith.constant 0 : index
    %get3A_0 = arith.constant 0 : index
    %get3A_1 = vector.load %arg1[%get3A, %get3A_0] : memref<2048x1024xf32, #tpu.memory_space<vmem>>, vector<2048x1024xf32>
    %convert_element_type3A = arith.truncf %get3A_1 : vector<2048x1024xf32> to vector<2048x1024xbf16>
    %get3A_2 = arith.constant 0 : index
    %get3A_3 = arith.constant 0 : index
    %get3A_4 = vector.load %arg2[%get3A_2, %get3A_3] : memref<8x1024xf32, #tpu.memory_space<vmem>>, vector<8x1024xf32>
    %dot_general3A = arith.constant dense<0.000000e+00> : vector<2048x8xf32>
    %dot_general3A_5 = tpu.matmul %get3A_1, %get3A_4, %dot_general3A {dimension_numbers = #tpu.dot_dimension_numbers<[1], [1], [0], [0], [0, 0, 1, 0], [], []>, transpose_lhs_hint = false} : vector<2048x1024xf32>, vector<8x1024xf32>, vector<2048x8xf32> -> vector<2048x8xf32>
    %reduce_max3A = arith.constant dense<0xFF800000> : vector<2048xf32>
    %reduce_max3A_6 = vector.multi_reduction <maximumf>, %dot_general3A_5, %reduce_max3A [1] : vector<2048x8xf32> to vector<2048xf32>
    %broadcast_in_dim3A = vector.shape_cast %reduce_max3A_6 : vector<2048xf32> to vector<2048x1xf32>
    %sub3A = vector.broadcast %broadcast_in_dim3A : vector<2048x1xf32> to vector<2048x8xf32>
    %sub3A_7 = arith.subf %dot_general3A_5, %sub3A : vector<2048x8xf32>
    %exp3A = math.exp %sub3A_7 : vector<2048x8xf32>
    %reduce_sum3A = arith.constant dense<0.000000e+00> : vector<2048xf32>
    %reduce_sum3A_8 = vector.multi_reduction <add>, %exp3A, %reduce_sum3A [1] : vector<2048x8xf32> to vector<2048xf32>
    %broadcast_in_dim3A_9 = vector.shape_cast %reduce_sum3A_8 : vector<2048xf32> to vector<2048x1xf32>
    %div3A = vector.broadcast %broadcast_in_dim3A_9 : vector<2048x1xf32> to vector<2048x8xf32>
    %div3A_10 = arith.divf %exp3A, %div3A : vector<2048x8xf32>
    %iota3A = tpu.iota {dimensions = array<i32: 1>} : vector<2048x8xi32>
    %reduce_max3A_11 = arith.constant dense<0xFF800000> : vector<2048xf32>
    %reduce_max3A_12 = vector.multi_reduction <maximumf>, %div3A_10, %reduce_max3A_11 [1] : vector<2048x8xf32> to vector<2048xf32>
    %broadcast_in_dim3A_13 = vector.shape_cast %reduce_max3A_12 : vector<2048xf32> to vector<2048x1xf32>
    %ge3A = vector.broadcast %broadcast_in_dim3A_13 : vector<2048x1xf32> to vector<2048x8xf32>
    %ge3A_14 = arith.cmpf oge, %div3A_10, %ge3A : vector<2048x8xf32>
    %jit3A = arith.constant 8 : i32
    %broadcast_in_dim3A_15 = vector.broadcast %jit3A : i32 to vector<2048x8xi32>
    %select_n3A = arith.select %ge3A_14, %iota3A, %broadcast_in_dim3A_15 : vector<2048x8xi1>, vector<2048x8xi32>
    %reduce_min3A = arith.constant dense<2147483647> : vector<2048xi32>
    %reduce_min3A_16 = vector.multi_reduction <minsi>, %select_n3A, %reduce_min3A [1] : vector<2048x8xi32> to vector<2048xi32>
    %broadcast_in_dim3A_17 = vector.shape_cast %reduce_min3A_16 : vector<2048xi32> to vector<2048x1xi32>
    %eq3A = vector.broadcast %broadcast_in_dim3A_17 : vector<2048x1xi32> to vector<2048x8xi32>
    %eq3A_18 = arith.cmpi eq, %iota3A, %eq3A : vector<2048x8xi32>
    %jit3A_19 = arith.constant 0xFF800000 : f32
    %broadcast_in_dim3A_20 = vector.broadcast %jit3A_19 : f32 to vector<2048x8xf32>
    %select_n3A_21 = arith.select %eq3A_18, %broadcast_in_dim3A_20, %div3A_10 : vector<2048x8xi1>, vector<2048x8xf32>
    %reduce_max3A_22 = arith.constant dense<0xFF800000> : vector<2048xf32>
    %reduce_max3A_23 = vector.multi_reduction <maximumf>, %select_n3A_21, %reduce_max3A_22 [1] : vector<2048x8xf32> to vector<2048xf32>
    %broadcast_in_dim3A_24 = vector.shape_cast %reduce_max3A_23 : vector<2048xf32> to vector<2048x1xf32>
    %ge3A_25 = vector.broadcast %broadcast_in_dim3A_24 : vector<2048x1xf32> to vector<2048x8xf32>
    %ge3A_26 = arith.cmpf oge, %select_n3A_21, %ge3A_25 : vector<2048x8xf32>
    %jit3A_27 = arith.constant 8 : i32
    %broadcast_in_dim3A_28 = vector.broadcast %jit3A_27 : i32 to vector<2048x8xi32>
    %select_n3A_29 = arith.select %ge3A_26, %iota3A, %broadcast_in_dim3A_28 : vector<2048x8xi1>, vector<2048x8xi32>
    %reduce_min3A_30 = arith.constant dense<2147483647> : vector<2048xi32>
    %reduce_min3A_31 = vector.multi_reduction <minsi>, %select_n3A_29, %reduce_min3A_30 [1] : vector<2048x8xi32> to vector<2048xi32>
    %broadcast_in_dim3A_32 = vector.shape_cast %reduce_min3A_31 : vector<2048xi32> to vector<2048x1xi32>
    %eq3A_33 = vector.broadcast %broadcast_in_dim3A_32 : vector<2048x1xi32> to vector<2048x8xi32>
    %eq3A_34 = arith.cmpi eq, %iota3A, %eq3A_33 : vector<2048x8xi32>
    %add3A = arith.addf %broadcast_in_dim3A_13, %broadcast_in_dim3A_24 : vector<2048x1xf32>
    %add3A_35 = arith.constant 9.99999968E-21 : f32
    %add3A_36 = vector.broadcast %add3A_35 : f32 to vector<2048x1xf32>
    %add3A_37 = arith.addf %add3A, %add3A_36 : vector<2048x1xf32>
    %div3A_38 = arith.divf %broadcast_in_dim3A_13, %add3A_37 : vector<2048x1xf32>
    %swap3A = arith.constant 0 : index
    %swap3A_39 = arith.constant 0 : index
    %swap3A_40 = vector.load %arg9[%swap3A, %swap3A_39] : memref<2048x1xf32, #tpu.memory_space<vmem>>, vector<2048x1xf32>
    tpu.vector_store %arg9[%swap3A, %swap3A_39], %div3A_38 {strides = array<i32>} : memref<2048x1xf32, #tpu.memory_space<vmem>>, vector<2048x1xf32>,
    %div3A_41 = arith.divf %broadcast_in_dim3A_24, %add3A_37 : vector<2048x1xf32>
    %swap3A_42 = arith.constant 0 : index
    %swap3A_43 = arith.constant 0 : index
    %swap3A_44 = vector.load %arg10[%swap3A_42, %swap3A_43] : memref<2048x1xf32, #tpu.memory_space<vmem>>, vector<2048x1xf32>
    tpu.vector_store %arg10[%swap3A_42, %swap3A_43], %div3A_41 {strides = array<i32>} : memref<2048x1xf32, #tpu.memory_space<vmem>>, vector<2048x1xf32>,
    %convert_element_type3A_45 = arith.extui %eq3A_18 : vector<2048x8xi1> to vector<2048x8xi32>
    %convert_element_type3A_46 = arith.sitofp %convert_element_type3A_45 : vector<2048x8xi32> to vector<2048x8xf32>
    %convert_element_type3A_47 = arith.extui %eq3A_34 : vector<2048x8xi1> to vector<2048x8xi32>
    %convert_element_type3A_48 = arith.sitofp %convert_element_type3A_47 : vector<2048x8xi32> to vector<2048x8xf32>
    %iota3A_49 = tpu.iota {dimensions = array<i32: 0>} : vector<128x128xi32>
    %iota3A_50 = tpu.iota {dimensions = array<i32: 1>} : vector<128x128xi32>
    %gt3A = arith.cmpi sgt, %iota3A_49, %iota3A_50 : vector<128x128xi32>
    %convert_element_type3A_51 = arith.extui %gt3A : vector<128x128xi1> to vector<128x128xi32>
    %convert_element_type3A_52 = arith.sitofp %convert_element_type3A_51 : vector<128x128xi32> to vector<128x128xf32>
    %broadcast_in_dim3A_53 = arith.constant 0.000000e+00 : f32
    %broadcast_in_dim3A_54 = vector.broadcast %broadcast_in_dim3A_53 : f32 to vector<1x8xf32>
    %slice3A = vector.extract_strided_slice %convert_element_type3A_46 {offsets = [0, 0], sizes = [128, 8], strides = [1, 1]} : vector<2048x8xf32> to vector<128x8xf32>
    %dot_general3A_55 = arith.constant dense<0.000000e+00> : vector<128x8xf32>
    %dot_general3A_56 = tpu.matmul %convert_element_type3A_52, %slice3A, %dot_general3A_55 {dimension_numbers = #tpu.dot_dimension_numbers<[1], [0], [0], [1], [0, 0, 1, 1], [], []>, transpose_lhs_hint = false} : vector<128x128xf32>, vector<128x8xf32>, vector<128x8xf32> -> vector<128x8xf32>
    %add3A_57 = vector.broadcast %broadcast_in_dim3A_54 : vector<1x8xf32> to vector<128x8xf32>
    %add3A_58 = arith.addf %dot_general3A_56, %add3A_57 : vector<128x8xf32>
    %reduce_sum3A_59 = arith.constant dense<0.000000e+00> : vector<8xf32>
    %reduce_sum3A_60 = vector.multi_reduction <add>, %slice3A, %reduce_sum3A_59 [0] : vector<128x8xf32> to vector<8xf32>
    %broadcast_in_dim3A_61 = vector.shape_cast %reduce_sum3A_60 : vector<8xf32> to vector<1x8xf32>
    %add3A_62 = arith.addf %broadcast_in_dim3A_54, %broadcast_in_dim3A_61 : vector<1x8xf32>
    %slice3A_63 = vector.extract_strided_slice %convert_element_type3A_46 {offsets = [128, 0], sizes = [128, 8], strides = [1, 1]} : vector<2048x8xf32> to vector<128x8xf32>
    %dot_general3A_64 = arith.constant dense<0.000000e+00> : vector<128x8xf32>
    %dot_general3A_65 = tpu.matmul %convert_element_type3A_52, %slice3A_63, %dot_general3A_64 {dimension_numbers = #tpu.dot_dimension_numbers<[1], [0], [0], [1], [0, 0, 1, 1], [], []>, transpose_lhs_hint = false} : vector<128x128xf32>, vector<128x8xf32>, vector<128x8xf32> -> vector<128x8xf32>
    %add3A_66 = vector.broadcast %add3A_62 : vector<1x8xf32> to vector<128x8xf32>
    %add3A_67 = arith.addf %dot_general3A_65, %add3A_66 : vector<128x8xf32>
    %reduce_sum3A_68 = arith.constant dense<0.000000e+00> : vector<8xf32>
    %reduce_sum3A_69 = vector.multi_reduction <add>, %slice3A_63, %reduce_sum3A_68 [0] : vector<128x8xf32> to vector<8xf32>
    %broadcast_in_dim3A_70 = vector.shape_cast %reduce_sum3A_69 : vector<8xf32> to vector<1x8xf32>
    %add3A_71 = arith.addf %add3A_62, %broadcast_in_dim3A_70 : vector<1x8xf32>
    %slice3A_72 = vector.extract_strided_slice %convert_element_type3A_46 {offsets = [256, 0], sizes = [128, 8], strides = [1, 1]} : vector<2048x8xf32> to vector<128x8xf32>
    %dot_general3A_73 = arith.constant dense<0.000000e+00> : vector<128x8xf32>
    %dot_general3A_74 = tpu.matmul %convert_element_type3A_52, %slice3A_72, %dot_general3A_73 {dimension_numbers = #tpu.dot_dimension_numbers<[1], [0], [0], [1], [0, 0, 1, 1], [], []>, transpose_lhs_hint = false} : vector<128x128xf32>, vector<128x8xf32>, vector<128x8xf32> -> vector<128x8xf32>
    %add3A_75 = vector.broadcast %add3A_71 : vector<1x8xf32> to vector<128x8xf32>
    %add3A_76 = arith.addf %dot_general3A_74, %add3A_75 : vector<128x8xf32>
    %reduce_sum3A_77 = arith.constant dense<0.000000e+00> : vector<8xf32>
    %reduce_sum3A_78 = vector.multi_reduction <add>, %slice3A_72, %reduce_sum3A_77 [0] : vector<128x8xf32> to vector<8xf32>
    %broadcast_in_dim3A_79 = vector.shape_cast %reduce_sum3A_78 : vector<8xf32> to vector<1x8xf32>
    %add3A_80 = arith.addf %add3A_71, %broadcast_in_dim3A_79 : vector<1x8xf32>
    %slice3A_81 = vector.extract_strided_slice %convert_element_type3A_46 {offsets = [384, 0], sizes = [128, 8], strides = [1, 1]} : vector<2048x8xf32> to vector<128x8xf32>
    %dot_general3A_82 = arith.constant dense<0.000000e+00> : vector<128x8xf32>
    %dot_general3A_83 = tpu.matmul %convert_element_type3A_52, %slice3A_81, %dot_general3A_82 {dimension_numbers = #tpu.dot_dimension_numbers<[1], [0], [0], [1], [0, 0, 1, 1], [], []>, transpose_lhs_hint = false} : vector<128x128xf32>, vector<128x8xf32>, vector<128x8xf32> -> vector<128x8xf32>
    %add3A_84 = vector.broadcast %add3A_80 : vector<1x8xf32> to vector<128x8xf32>
    %add3A_85 = arith.addf %dot_general3A_83, %add3A_84 : vector<128x8xf32>
    %reduce_sum3A_86 = arith.constant dense<0.000000e+00> : vector<8xf32>
    %reduce_sum3A_87 = vector.multi_reduction <add>, %slice3A_81, %reduce_sum3A_86 [0] : vector<128x8xf32> to vector<8xf32>
    %broadcast_in_dim3A_88 = vector.shape_cast %reduce_sum3A_87 : vector<8xf32> to vector<1x8xf32>
    %add3A_89 = arith.addf %add3A_80, %broadcast_in_dim3A_88 : vector<1x8xf32>
    %slice3A_90 = vector.extract_strided_slice %convert_element_type3A_46 {offsets = [512, 0], sizes = [128, 8], strides = [1, 1]} : vector<2048x8xf32> to vector<128x8xf32>
    %dot_general3A_91 = arith.constant dense<0.000000e+00> : vector<128x8xf32>
    %dot_general3A_92 = tpu.matmul %convert_element_type3A_52, %slice3A_90, %dot_general3A_91 {dimension_numbers = #tpu.dot_dimension_numbers<[1], [0], [0], [1], [0, 0, 1, 1], [], []>, transpose_lhs_hint = false} : vector<128x128xf32>, vector<128x8xf32>, vector<128x8xf32> -> vector<128x8xf32>
    %add3A_93 = vector.broadcast %add3A_89 : vector<1x8xf32> to vector<128x8xf32>
    %add3A_94 = arith.addf %dot_general3A_92, %add3A_93 : vector<128x8xf32>
    %reduce_sum3A_95 = arith.constant dense<0.000000e+00> : vector<8xf32>
    %reduce_sum3A_96 = vector.multi_reduction <add>, %slice3A_90, %reduce_sum3A_95 [0] : vector<128x8xf32> to vector<8xf32>
    %broadcast_in_dim3A_97 = vector.shape_cast %reduce_sum3A_96 : vector<8xf32> to vector<1x8xf32>
    %add3A_98 = arith.addf %add3A_89, %broadcast_in_dim3A_97 : vector<1x8xf32>
    %slice3A_99 = vector.extract_strided_slice %convert_element_type3A_46 {offsets = [640, 0], sizes = [128, 8], strides = [1, 1]} : vector<2048x8xf32> to vector<128x8xf32>
    %dot_general3A_100 = arith.constant dense<0.000000e+00> : vector<128x8xf32>
    %dot_general3A_101 = tpu.matmul %convert_element_type3A_52, %slice3A_99, %dot_general3A_100 {dimension_numbers = #tpu.dot_dimension_numbers<[1], [0], [0], [1], [0, 0, 1, 1], [], []>, transpose_lhs_hint = false} : vector<128x128xf32>, vector<128x8xf32>, vector<128x8xf32> -> vector<128x8xf32>
    %add3A_102 = vector.broadcast %add3A_98 : vector<1x8xf32> to vector<128x8xf32>
    %add3A_103 = arith.addf %dot_general3A_101, %add3A_102 : vector<128x8xf32>
    %reduce_sum3A_104 = arith.constant dense<0.000000e+00> : vector<8xf32>
    %reduce_sum3A_105 = vector.multi_reduction <add>, %slice3A_99, %reduce_sum3A_104 [0] : vector<128x8xf32> to vector<8xf32>
    %broadcast_in_dim3A_106 = vector.shape_cast %reduce_sum3A_105 : vector<8xf32> to vector<1x8xf32>
    %add3A_107 = arith.addf %add3A_98, %broadcast_in_dim3A_106 : vector<1x8xf32>
    %slice3A_108 = vector.extract_strided_slice %convert_element_type3A_46 {offsets = [768, 0], sizes = [128, 8], strides = [1, 1]} : vector<2048x8xf32> to vector<128x8xf32>
    %dot_general3A_109 = arith.constant dense<0.000000e+00> : vector<128x8xf32>
    %dot_general3A_110 = tpu.matmul %convert_element_type3A_52, %slice3A_108, %dot_general3A_109 {dimension_numbers = #tpu.dot_dimension_numbers<[1], [0], [0], [1], [0, 0, 1, 1], [], []>, transpose_lhs_hint = false} : vector<128x128xf32>, vector<128x8xf32>, vector<128x8xf32> -> vector<128x8xf32>
    %add3A_111 = vector.broadcast %add3A_107 : vector<1x8xf32> to vector<128x8xf32>
    %add3A_112 = arith.addf %dot_general3A_110, %add3A_111 : vector<128x8xf32>
    %reduce_sum3A_113 = arith.constant dense<0.000000e+00> : vector<8xf32>
    %reduce_sum3A_114 = vector.multi_reduction <add>, %slice3A_108, %reduce_sum3A_113 [0] : vector<128x8xf32> to vector<8xf32>
    %broadcast_in_dim3A_115 = vector.shape_cast %reduce_sum3A_114 : vector<8xf32> to vector<1x8xf32>
    %add3A_116 = arith.addf %add3A_107, %broadcast_in_dim3A_115 : vector<1x8xf32>
    %slice3A_117 = vector.extract_strided_slice %convert_element_type3A_46 {offsets = [896, 0], sizes = [128, 8], strides = [1, 1]} : vector<2048x8xf32> to vector<128x8xf32>
    %dot_general3A_118 = arith.constant dense<0.000000e+00> : vector<128x8xf32>
    %dot_general3A_119 = tpu.matmul %convert_element_type3A_52, %slice3A_117, %dot_general3A_118 {dimension_numbers = #tpu.dot_dimension_numbers<[1], [0], [0], [1], [0, 0, 1, 1], [], []>, transpose_lhs_hint = false} : vector<128x128xf32>, vector<128x8xf32>, vector<128x8xf32> -> vector<128x8xf32>
    %add3A_120 = vector.broadcast %add3A_116 : vector<1x8xf32> to vector<128x8xf32>
    %add3A_121 = arith.addf %dot_general3A_119, %add3A_120 : vector<128x8xf32>
    %reduce_sum3A_122 = arith.constant dense<0.000000e+00> : vector<8xf32>
    %reduce_sum3A_123 = vector.multi_reduction <add>, %slice3A_117, %reduce_sum3A_122 [0] : vector<128x8xf32> to vector<8xf32>
    %broadcast_in_dim3A_124 = vector.shape_cast %reduce_sum3A_123 : vector<8xf32> to vector<1x8xf32>
    %add3A_125 = arith.addf %add3A_116, %broadcast_in_dim3A_124 : vector<1x8xf32>
    %slice3A_126 = vector.extract_strided_slice %convert_element_type3A_46 {offsets = [1024, 0], sizes = [128, 8], strides = [1, 1]} : vector<2048x8xf32> to vector<128x8xf32>
    %dot_general3A_127 = arith.constant dense<0.000000e+00> : vector<128x8xf32>
    %dot_general3A_128 = tpu.matmul %convert_element_type3A_52, %slice3A_126, %dot_general3A_127 {dimension_numbers = #tpu.dot_dimension_numbers<[1], [0], [0], [1], [0, 0, 1, 1], [], []>, transpose_lhs_hint = false} : vector<128x128xf32>, vector<128x8xf32>, vector<128x8xf32> -> vector<128x8xf32>
    %add3A_129 = vector.broadcast %add3A_125 : vector<1x8xf32> to vector<128x8xf32>
    %add3A_130 = arith.addf %dot_general3A_128, %add3A_129 : vector<128x8xf32>
    %reduce_sum3A_131 = arith.constant dense<0.000000e+00> : vector<8xf32>
    %reduce_sum3A_132 = vector.multi_reduction <add>, %slice3A_126, %reduce_sum3A_131 [0] : vector<128x8xf32> to vector<8xf32>
    %broadcast_in_dim3A_133 = vector.shape_cast %reduce_sum3A_132 : vector<8xf32> to vector<1x8xf32>
    %add3A_134 = arith.addf %add3A_125, %broadcast_in_dim3A_133 : vector<1x8xf32>
    %slice3A_135 = vector.extract_strided_slice %convert_element_type3A_46 {offsets = [1152, 0], sizes = [128, 8], strides = [1, 1]} : vector<2048x8xf32> to vector<128x8xf32>
    %dot_general3A_136 = arith.constant dense<0.000000e+00> : vector<128x8xf32>
    %dot_general3A_137 = tpu.matmul %convert_element_type3A_52, %slice3A_135, %dot_general3A_136 {dimension_numbers = #tpu.dot_dimension_numbers<[1], [0], [0], [1], [0, 0, 1, 1], [], []>, transpose_lhs_hint = false} : vector<128x128xf32>, vector<128x8xf32>, vector<128x8xf32> -> vector<128x8xf32>
    %add3A_138 = vector.broadcast %add3A_134 : vector<1x8xf32> to vector<128x8xf32>
    %add3A_139 = arith.addf %dot_general3A_137, %add3A_138 : vector<128x8xf32>
    %reduce_sum3A_140 = arith.constant dense<0.000000e+00> : vector<8xf32>
    %reduce_sum3A_141 = vector.multi_reduction <add>, %slice3A_135, %reduce_sum3A_140 [0] : vector<128x8xf32> to vector<8xf32>
    %broadcast_in_dim3A_142 = vector.shape_cast %reduce_sum3A_141 : vector<8xf32> to vector<1x8xf32>
    %add3A_143 = arith.addf %add3A_134, %broadcast_in_dim3A_142 : vector<1x8xf32>
    %slice3A_144 = vector.extract_strided_slice %convert_element_type3A_46 {offsets = [1280, 0], sizes = [128, 8], strides = [1, 1]} : vector<2048x8xf32> to vector<128x8xf32>
    %dot_general3A_145 = arith.constant dense<0.000000e+00> : vector<128x8xf32>
    %dot_general3A_146 = tpu.matmul %convert_element_type3A_52, %slice3A_144, %dot_general3A_145 {dimension_numbers = #tpu.dot_dimension_numbers<[1], [0], [0], [1], [0, 0, 1, 1], [], []>, transpose_lhs_hint = false} : vector<128x128xf32>, vector<128x8xf32>, vector<128x8xf32> -> vector<128x8xf32>
    %add3A_147 = vector.broadcast %add3A_143 : vector<1x8xf32> to vector<128x8xf32>
    %add3A_148 = arith.addf %dot_general3A_146, %add3A_147 : vector<128x8xf32>
    %reduce_sum3A_149 = arith.constant dense<0.000000e+00> : vector<8xf32>
    %reduce_sum3A_150 = vector.multi_reduction <add>, %slice3A_144, %reduce_sum3A_149 [0] : vector<128x8xf32> to vector<8xf32>
    %broadcast_in_dim3A_151 = vector.shape_cast %reduce_sum3A_150 : vector<8xf32> to vector<1x8xf32>
    %add3A_152 = arith.addf %add3A_143, %broadcast_in_dim3A_151 : vector<1x8xf32>
    %slice3A_153 = vector.extract_strided_slice %convert_element_type3A_46 {offsets = [1408, 0], sizes = [128, 8], strides = [1, 1]} : vector<2048x8xf32> to vector<128x8xf32>
    %dot_general3A_154 = arith.constant dense<0.000000e+00> : vector<128x8xf32>
    %dot_general3A_155 = tpu.matmul %convert_element_type3A_52, %slice3A_153, %dot_general3A_154 {dimension_numbers = #tpu.dot_dimension_numbers<[1], [0], [0], [1], [0, 0, 1, 1], [], []>, transpose_lhs_hint = false} : vector<128x128xf32>, vector<128x8xf32>, vector<128x8xf32> -> vector<128x8xf32>
    %add3A_156 = vector.broadcast %add3A_152 : vector<1x8xf32> to vector<128x8xf32>
    %add3A_157 = arith.addf %dot_general3A_155, %add3A_156 : vector<128x8xf32>
    %reduce_sum3A_158 = arith.constant dense<0.000000e+00> : vector<8xf32>
    %reduce_sum3A_159 = vector.multi_reduction <add>, %slice3A_153, %reduce_sum3A_158 [0] : vector<128x8xf32> to vector<8xf32>
    %broadcast_in_dim3A_160 = vector.shape_cast %reduce_sum3A_159 : vector<8xf32> to vector<1x8xf32>
    %add3A_161 = arith.addf %add3A_152, %broadcast_in_dim3A_160 : vector<1x8xf32>
    %slice3A_162 = vector.extract_strided_slice %convert_element_type3A_46 {offsets = [1536, 0], sizes = [128, 8], strides = [1, 1]} : vector<2048x8xf32> to vector<128x8xf32>
    %dot_general3A_163 = arith.constant dense<0.000000e+00> : vector<128x8xf32>
    %dot_general3A_164 = tpu.matmul %convert_element_type3A_52, %slice3A_162, %dot_general3A_163 {dimension_numbers = #tpu.dot_dimension_numbers<[1], [0], [0], [1], [0, 0, 1, 1], [], []>, transpose_lhs_hint = false} : vector<128x128xf32>, vector<128x8xf32>, vector<128x8xf32> -> vector<128x8xf32>
    %add3A_165 = vector.broadcast %add3A_161 : vector<1x8xf32> to vector<128x8xf32>
    %add3A_166 = arith.addf %dot_general3A_164, %add3A_165 : vector<128x8xf32>
    %reduce_sum3A_167 = arith.constant dense<0.000000e+00> : vector<8xf32>
    %reduce_sum3A_168 = vector.multi_reduction <add>, %slice3A_162, %reduce_sum3A_167 [0] : vector<128x8xf32> to vector<8xf32>
    %broadcast_in_dim3A_169 = vector.shape_cast %reduce_sum3A_168 : vector<8xf32> to vector<1x8xf32>
    %add3A_170 = arith.addf %add3A_161, %broadcast_in_dim3A_169 : vector<1x8xf32>
    %slice3A_171 = vector.extract_strided_slice %convert_element_type3A_46 {offsets = [1664, 0], sizes = [128, 8], strides = [1, 1]} : vector<2048x8xf32> to vector<128x8xf32>
    %dot_general3A_172 = arith.constant dense<0.000000e+00> : vector<128x8xf32>
    %dot_general3A_173 = tpu.matmul %convert_element_type3A_52, %slice3A_171, %dot_general3A_172 {dimension_numbers = #tpu.dot_dimension_numbers<[1], [0], [0], [1], [0, 0, 1, 1], [], []>, transpose_lhs_hint = false} : vector<128x128xf32>, vector<128x8xf32>, vector<128x8xf32> -> vector<128x8xf32>
    %add3A_174 = vector.broadcast %add3A_170 : vector<1x8xf32> to vector<128x8xf32>
    %add3A_175 = arith.addf %dot_general3A_173, %add3A_174 : vector<128x8xf32>
    %reduce_sum3A_176 = arith.constant dense<0.000000e+00> : vector<8xf32>
    %reduce_sum3A_177 = vector.multi_reduction <add>, %slice3A_171, %reduce_sum3A_176 [0] : vector<128x8xf32> to vector<8xf32>
    %broadcast_in_dim3A_178 = vector.shape_cast %reduce_sum3A_177 : vector<8xf32> to vector<1x8xf32>
    %add3A_179 = arith.addf %add3A_170, %broadcast_in_dim3A_178 : vector<1x8xf32>
    %slice3A_180 = vector.extract_strided_slice %convert_element_type3A_46 {offsets = [1792, 0], sizes = [128, 8], strides = [1, 1]} : vector<2048x8xf32> to vector<128x8xf32>
    %dot_general3A_181 = arith.constant dense<0.000000e+00> : vector<128x8xf32>
    %dot_general3A_182 = tpu.matmul %convert_element_type3A_52, %slice3A_180, %dot_general3A_181 {dimension_numbers = #tpu.dot_dimension_numbers<[1], [0], [0], [1], [0, 0, 1, 1], [], []>, transpose_lhs_hint = false} : vector<128x128xf32>, vector<128x8xf32>, vector<128x8xf32> -> vector<128x8xf32>
    %add3A_183 = vector.broadcast %add3A_179 : vector<1x8xf32> to vector<128x8xf32>
    %add3A_184 = arith.addf %dot_general3A_182, %add3A_183 : vector<128x8xf32>
    %reduce_sum3A_185 = arith.constant dense<0.000000e+00> : vector<8xf32>
    %reduce_sum3A_186 = vector.multi_reduction <add>, %slice3A_180, %reduce_sum3A_185 [0] : vector<128x8xf32> to vector<8xf32>
    %broadcast_in_dim3A_187 = vector.shape_cast %reduce_sum3A_186 : vector<8xf32> to vector<1x8xf32>
    %add3A_188 = arith.addf %add3A_179, %broadcast_in_dim3A_187 : vector<1x8xf32>
    %slice3A_189 = vector.extract_strided_slice %convert_element_type3A_46 {offsets = [1920, 0], sizes = [128, 8], strides = [1, 1]} : vector<2048x8xf32> to vector<128x8xf32>
    %dot_general3A_190 = arith.constant dense<0.000000e+00> : vector<128x8xf32>
    %dot_general3A_191 = tpu.matmul %convert_element_type3A_52, %slice3A_189, %dot_general3A_190 {dimension_numbers = #tpu.dot_dimension_numbers<[1], [0], [0], [1], [0, 0, 1, 1], [], []>, transpose_lhs_hint = false} : vector<128x128xf32>, vector<128x8xf32>, vector<128x8xf32> -> vector<128x8xf32>
    %add3A_192 = vector.broadcast %add3A_188 : vector<1x8xf32> to vector<128x8xf32>
    %add3A_193 = arith.addf %dot_general3A_191, %add3A_192 : vector<128x8xf32>
    %reduce_sum3A_194 = arith.constant dense<0.000000e+00> : vector<8xf32>
    %reduce_sum3A_195 = vector.multi_reduction <add>, %slice3A_189, %reduce_sum3A_194 [0] : vector<128x8xf32> to vector<8xf32>
    %broadcast_in_dim3A_196 = vector.shape_cast %reduce_sum3A_195 : vector<8xf32> to vector<1x8xf32>
    %add3A_197 = arith.addf %add3A_188, %broadcast_in_dim3A_196 : vector<1x8xf32>
    %concatenate3A = tpu.concatenate %add3A_58, %add3A_67, %add3A_76, %add3A_85, %add3A_94, %add3A_103, %add3A_112, %add3A_121, %add3A_130, %add3A_139, %add3A_148, %add3A_157, %add3A_166, %add3A_175, %add3A_184, %add3A_193 in 0 : vector<128x8xf32>, vector<128x8xf32>, vector<128x8xf32>, vector<128x8xf32>, vector<128x8xf32>, vector<128x8xf32>, vector<128x8xf32>, vector<128x8xf32>, vector<128x8xf32>, vector<128x8xf32>, vector<128x8xf32>, vector<128x8xf32>, vector<128x8xf32>, vector<128x8xf32>, vector<128x8xf32>, vector<128x8xf32> -> vector<2048x8xf32>
    %broadcast_in_dim3A_198 = arith.constant 0.000000e+00 : f32
    %broadcast_in_dim3A_199 = vector.broadcast %broadcast_in_dim3A_198 : f32 to vector<1x8xf32>
    %slice3A_200 = vector.extract_strided_slice %convert_element_type3A_48 {offsets = [0, 0], sizes = [128, 8], strides = [1, 1]} : vector<2048x8xf32> to vector<128x8xf32>
    %dot_general3A_201 = arith.constant dense<0.000000e+00> : vector<128x8xf32>
    %dot_general3A_202 = tpu.matmul %convert_element_type3A_52, %slice3A_200, %dot_general3A_201 {dimension_numbers = #tpu.dot_dimension_numbers<[1], [0], [0], [1], [0, 0, 1, 1], [], []>, transpose_lhs_hint = false} : vector<128x128xf32>, vector<128x8xf32>, vector<128x8xf32> -> vector<128x8xf32>
    %add3A_203 = vector.broadcast %broadcast_in_dim3A_199 : vector<1x8xf32> to vector<128x8xf32>
    %add3A_204 = arith.addf %dot_general3A_202, %add3A_203 : vector<128x8xf32>
    %reduce_sum3A_205 = arith.constant dense<0.000000e+00> : vector<8xf32>
    %reduce_sum3A_206 = vector.multi_reduction <add>, %slice3A_200, %reduce_sum3A_205 [0] : vector<128x8xf32> to vector<8xf32>
    %broadcast_in_dim3A_207 = vector.shape_cast %reduce_sum3A_206 : vector<8xf32> to vector<1x8xf32>
    %add3A_208 = arith.addf %broadcast_in_dim3A_199, %broadcast_in_dim3A_207 : vector<1x8xf32>
    %slice3A_209 = vector.extract_strided_slice %convert_element_type3A_48 {offsets = [128, 0], sizes = [128, 8], strides = [1, 1]} : vector<2048x8xf32> to vector<128x8xf32>
    %dot_general3A_210 = arith.constant dense<0.000000e+00> : vector<128x8xf32>
    %dot_general3A_211 = tpu.matmul %convert_element_type3A_52, %slice3A_209, %dot_general3A_210 {dimension_numbers = #tpu.dot_dimension_numbers<[1], [0], [0], [1], [0, 0, 1, 1], [], []>, transpose_lhs_hint = false} : vector<128x128xf32>, vector<128x8xf32>, vector<128x8xf32> -> vector<128x8xf32>
    %add3A_212 = vector.broadcast %add3A_208 : vector<1x8xf32> to vector<128x8xf32>
    %add3A_213 = arith.addf %dot_general3A_211, %add3A_212 : vector<128x8xf32>
    %reduce_sum3A_214 = arith.constant dense<0.000000e+00> : vector<8xf32>
    %reduce_sum3A_215 = vector.multi_reduction <add>, %slice3A_209, %reduce_sum3A_214 [0] : vector<128x8xf32> to vector<8xf32>
    %broadcast_in_dim3A_216 = vector.shape_cast %reduce_sum3A_215 : vector<8xf32> to vector<1x8xf32>
    %add3A_217 = arith.addf %add3A_208, %broadcast_in_dim3A_216 : vector<1x8xf32>
    %slice3A_218 = vector.extract_strided_slice %convert_element_type3A_48 {offsets = [256, 0], sizes = [128, 8], strides = [1, 1]} : vector<2048x8xf32> to vector<128x8xf32>
    %dot_general3A_219 = arith.constant dense<0.000000e+00> : vector<128x8xf32>
    %dot_general3A_220 = tpu.matmul %convert_element_type3A_52, %slice3A_218, %dot_general3A_219 {dimension_numbers = #tpu.dot_dimension_numbers<[1], [0], [0], [1], [0, 0, 1, 1], [], []>, transpose_lhs_hint = false} : vector<128x128xf32>, vector<128x8xf32>, vector<128x8xf32> -> vector<128x8xf32>
    %add3A_221 = vector.broadcast %add3A_217 : vector<1x8xf32> to vector<128x8xf32>
    %add3A_222 = arith.addf %dot_general3A_220, %add3A_221 : vector<128x8xf32>
    %reduce_sum3A_223 = arith.constant dense<0.000000e+00> : vector<8xf32>
    %reduce_sum3A_224 = vector.multi_reduction <add>, %slice3A_218, %reduce_sum3A_223 [0] : vector<128x8xf32> to vector<8xf32>
    %broadcast_in_dim3A_225 = vector.shape_cast %reduce_sum3A_224 : vector<8xf32> to vector<1x8xf32>
    %add3A_226 = arith.addf %add3A_217, %broadcast_in_dim3A_225 : vector<1x8xf32>
    %slice3A_227 = vector.extract_strided_slice %convert_element_type3A_48 {offsets = [384, 0], sizes = [128, 8], strides = [1, 1]} : vector<2048x8xf32> to vector<128x8xf32>
    %dot_general3A_228 = arith.constant dense<0.000000e+00> : vector<128x8xf32>
    %dot_general3A_229 = tpu.matmul %convert_element_type3A_52, %slice3A_227, %dot_general3A_228 {dimension_numbers = #tpu.dot_dimension_numbers<[1], [0], [0], [1], [0, 0, 1, 1], [], []>, transpose_lhs_hint = false} : vector<128x128xf32>, vector<128x8xf32>, vector<128x8xf32> -> vector<128x8xf32>
    %add3A_230 = vector.broadcast %add3A_226 : vector<1x8xf32> to vector<128x8xf32>
    %add3A_231 = arith.addf %dot_general3A_229, %add3A_230 : vector<128x8xf32>
    %reduce_sum3A_232 = arith.constant dense<0.000000e+00> : vector<8xf32>
    %reduce_sum3A_233 = vector.multi_reduction <add>, %slice3A_227, %reduce_sum3A_232 [0] : vector<128x8xf32> to vector<8xf32>
    %broadcast_in_dim3A_234 = vector.shape_cast %reduce_sum3A_233 : vector<8xf32> to vector<1x8xf32>
    %add3A_235 = arith.addf %add3A_226, %broadcast_in_dim3A_234 : vector<1x8xf32>
    %slice3A_236 = vector.extract_strided_slice %convert_element_type3A_48 {offsets = [512, 0], sizes = [128, 8], strides = [1, 1]} : vector<2048x8xf32> to vector<128x8xf32>
    %dot_general3A_237 = arith.constant dense<0.000000e+00> : vector<128x8xf32>
    %dot_general3A_238 = tpu.matmul %convert_element_type3A_52, %slice3A_236, %dot_general3A_237 {dimension_numbers = #tpu.dot_dimension_numbers<[1], [0], [0], [1], [0, 0, 1, 1], [], []>, transpose_lhs_hint = false} : vector<128x128xf32>, vector<128x8xf32>, vector<128x8xf32> -> vector<128x8xf32>
    %add3A_239 = vector.broadcast %add3A_235 : vector<1x8xf32> to vector<128x8xf32>
    %add3A_240 = arith.addf %dot_general3A_238, %add3A_239 : vector<128x8xf32>
    %reduce_sum3A_241 = arith.constant dense<0.000000e+00> : vector<8xf32>
    %reduce_sum3A_242 = vector.multi_reduction <add>, %slice3A_236, %reduce_sum3A_241 [0] : vector<128x8xf32> to vector<8xf32>
    %broadcast_in_dim3A_243 = vector.shape_cast %reduce_sum3A_242 : vector<8xf32> to vector<1x8xf32>
    %add3A_244 = arith.addf %add3A_235, %broadcast_in_dim3A_243 : vector<1x8xf32>
    %slice3A_245 = vector.extract_strided_slice %convert_element_type3A_48 {offsets = [640, 0], sizes = [128, 8], strides = [1, 1]} : vector<2048x8xf32> to vector<128x8xf32>
    %dot_general3A_246 = arith.constant dense<0.000000e+00> : vector<128x8xf32>
    %dot_general3A_247 = tpu.matmul %convert_element_type3A_52, %slice3A_245, %dot_general3A_246 {dimension_numbers = #tpu.dot_dimension_numbers<[1], [0], [0], [1], [0, 0, 1, 1], [], []>, transpose_lhs_hint = false} : vector<128x128xf32>, vector<128x8xf32>, vector<128x8xf32> -> vector<128x8xf32>
    %add3A_248 = vector.broadcast %add3A_244 : vector<1x8xf32> to vector<128x8xf32>
    %add3A_249 = arith.addf %dot_general3A_247, %add3A_248 : vector<128x8xf32>
    %reduce_sum3A_250 = arith.constant dense<0.000000e+00> : vector<8xf32>
    %reduce_sum3A_251 = vector.multi_reduction <add>, %slice3A_245, %reduce_sum3A_250 [0] : vector<128x8xf32> to vector<8xf32>
    %broadcast_in_dim3A_252 = vector.shape_cast %reduce_sum3A_251 : vector<8xf32> to vector<1x8xf32>
    %add3A_253 = arith.addf %add3A_244, %broadcast_in_dim3A_252 : vector<1x8xf32>
    %slice3A_254 = vector.extract_strided_slice %convert_element_type3A_48 {offsets = [768, 0], sizes = [128, 8], strides = [1, 1]} : vector<2048x8xf32> to vector<128x8xf32>
    %dot_general3A_255 = arith.constant dense<0.000000e+00> : vector<128x8xf32>
    %dot_general3A_256 = tpu.matmul %convert_element_type3A_52, %slice3A_254, %dot_general3A_255 {dimension_numbers = #tpu.dot_dimension_numbers<[1], [0], [0], [1], [0, 0, 1, 1], [], []>, transpose_lhs_hint = false} : vector<128x128xf32>, vector<128x8xf32>, vector<128x8xf32> -> vector<128x8xf32>
    %add3A_257 = vector.broadcast %add3A_253 : vector<1x8xf32> to vector<128x8xf32>
    %add3A_258 = arith.addf %dot_general3A_256, %add3A_257 : vector<128x8xf32>
    %reduce_sum3A_259 = arith.constant dense<0.000000e+00> : vector<8xf32>
    %reduce_sum3A_260 = vector.multi_reduction <add>, %slice3A_254, %reduce_sum3A_259 [0] : vector<128x8xf32> to vector<8xf32>
    %broadcast_in_dim3A_261 = vector.shape_cast %reduce_sum3A_260 : vector<8xf32> to vector<1x8xf32>
    %add3A_262 = arith.addf %add3A_253, %broadcast_in_dim3A_261 : vector<1x8xf32>
    %slice3A_263 = vector.extract_strided_slice %convert_element_type3A_48 {offsets = [896, 0], sizes = [128, 8], strides = [1, 1]} : vector<2048x8xf32> to vector<128x8xf32>
    %dot_general3A_264 = arith.constant dense<0.000000e+00> : vector<128x8xf32>
    %dot_general3A_265 = tpu.matmul %convert_element_type3A_52, %slice3A_263, %dot_general3A_264 {dimension_numbers = #tpu.dot_dimension_numbers<[1], [0], [0], [1], [0, 0, 1, 1], [], []>, transpose_lhs_hint = false} : vector<128x128xf32>, vector<128x8xf32>, vector<128x8xf32> -> vector<128x8xf32>
    %add3A_266 = vector.broadcast %add3A_262 : vector<1x8xf32> to vector<128x8xf32>
    %add3A_267 = arith.addf %dot_general3A_265, %add3A_266 : vector<128x8xf32>
    %reduce_sum3A_268 = arith.constant dense<0.000000e+00> : vector<8xf32>
    %reduce_sum3A_269 = vector.multi_reduction <add>, %slice3A_263, %reduce_sum3A_268 [0] : vector<128x8xf32> to vector<8xf32>
    %broadcast_in_dim3A_270 = vector.shape_cast %reduce_sum3A_269 : vector<8xf32> to vector<1x8xf32>
    %add3A_271 = arith.addf %add3A_262, %broadcast_in_dim3A_270 : vector<1x8xf32>
    %slice3A_272 = vector.extract_strided_slice %convert_element_type3A_48 {offsets = [1024, 0], sizes = [128, 8], strides = [1, 1]} : vector<2048x8xf32> to vector<128x8xf32>
    %dot_general3A_273 = arith.constant dense<0.000000e+00> : vector<128x8xf32>
    %dot_general3A_274 = tpu.matmul %convert_element_type3A_52, %slice3A_272, %dot_general3A_273 {dimension_numbers = #tpu.dot_dimension_numbers<[1], [0], [0], [1], [0, 0, 1, 1], [], []>, transpose_lhs_hint = false} : vector<128x128xf32>, vector<128x8xf32>, vector<128x8xf32> -> vector<128x8xf32>
    %add3A_275 = vector.broadcast %add3A_271 : vector<1x8xf32> to vector<128x8xf32>
    %add3A_276 = arith.addf %dot_general3A_274, %add3A_275 : vector<128x8xf32>
    %reduce_sum3A_277 = arith.constant dense<0.000000e+00> : vector<8xf32>
    %reduce_sum3A_278 = vector.multi_reduction <add>, %slice3A_272, %reduce_sum3A_277 [0] : vector<128x8xf32> to vector<8xf32>
    %broadcast_in_dim3A_279 = vector.shape_cast %reduce_sum3A_278 : vector<8xf32> to vector<1x8xf32>
    %add3A_280 = arith.addf %add3A_271, %broadcast_in_dim3A_279 : vector<1x8xf32>
    %slice3A_281 = vector.extract_strided_slice %convert_element_type3A_48 {offsets = [1152, 0], sizes = [128, 8], strides = [1, 1]} : vector<2048x8xf32> to vector<128x8xf32>
    %dot_general3A_282 = arith.constant dense<0.000000e+00> : vector<128x8xf32>
    %dot_general3A_283 = tpu.matmul %convert_element_type3A_52, %slice3A_281, %dot_general3A_282 {dimension_numbers = #tpu.dot_dimension_numbers<[1], [0], [0], [1], [0, 0, 1, 1], [], []>, transpose_lhs_hint = false} : vector<128x128xf32>, vector<128x8xf32>, vector<128x8xf32> -> vector<128x8xf32>
    %add3A_284 = vector.broadcast %add3A_280 : vector<1x8xf32> to vector<128x8xf32>
    %add3A_285 = arith.addf %dot_general3A_283, %add3A_284 : vector<128x8xf32>
    %reduce_sum3A_286 = arith.constant dense<0.000000e+00> : vector<8xf32>
    %reduce_sum3A_287 = vector.multi_reduction <add>, %slice3A_281, %reduce_sum3A_286 [0] : vector<128x8xf32> to vector<8xf32>
    %broadcast_in_dim3A_288 = vector.shape_cast %reduce_sum3A_287 : vector<8xf32> to vector<1x8xf32>
    %add3A_289 = arith.addf %add3A_280, %broadcast_in_dim3A_288 : vector<1x8xf32>
    %slice3A_290 = vector.extract_strided_slice %convert_element_type3A_48 {offsets = [1280, 0], sizes = [128, 8], strides = [1, 1]} : vector<2048x8xf32> to vector<128x8xf32>
    %dot_general3A_291 = arith.constant dense<0.000000e+00> : vector<128x8xf32>
    %dot_general3A_292 = tpu.matmul %convert_element_type3A_52, %slice3A_290, %dot_general3A_291 {dimension_numbers = #tpu.dot_dimension_numbers<[1], [0], [0], [1], [0, 0, 1, 1], [], []>, transpose_lhs_hint = false} : vector<128x128xf32>, vector<128x8xf32>, vector<128x8xf32> -> vector<128x8xf32>
    %add3A_293 = vector.broadcast %add3A_289 : vector<1x8xf32> to vector<128x8xf32>
    %add3A_294 = arith.addf %dot_general3A_292, %add3A_293 : vector<128x8xf32>
    %reduce_sum3A_295 = arith.constant dense<0.000000e+00> : vector<8xf32>
    %reduce_sum3A_296 = vector.multi_reduction <add>, %slice3A_290, %reduce_sum3A_295 [0] : vector<128x8xf32> to vector<8xf32>
    %broadcast_in_dim3A_297 = vector.shape_cast %reduce_sum3A_296 : vector<8xf32> to vector<1x8xf32>
    %add3A_298 = arith.addf %add3A_289, %broadcast_in_dim3A_297 : vector<1x8xf32>
    %slice3A_299 = vector.extract_strided_slice %convert_element_type3A_48 {offsets = [1408, 0], sizes = [128, 8], strides = [1, 1]} : vector<2048x8xf32> to vector<128x8xf32>
    %dot_general3A_300 = arith.constant dense<0.000000e+00> : vector<128x8xf32>
    %dot_general3A_301 = tpu.matmul %convert_element_type3A_52, %slice3A_299, %dot_general3A_300 {dimension_numbers = #tpu.dot_dimension_numbers<[1], [0], [0], [1], [0, 0, 1, 1], [], []>, transpose_lhs_hint = false} : vector<128x128xf32>, vector<128x8xf32>, vector<128x8xf32> -> vector<128x8xf32>
    %add3A_302 = vector.broadcast %add3A_298 : vector<1x8xf32> to vector<128x8xf32>
    %add3A_303 = arith.addf %dot_general3A_301, %add3A_302 : vector<128x8xf32>
    %reduce_sum3A_304 = arith.constant dense<0.000000e+00> : vector<8xf32>
    %reduce_sum3A_305 = vector.multi_reduction <add>, %slice3A_299, %reduce_sum3A_304 [0] : vector<128x8xf32> to vector<8xf32>
    %broadcast_in_dim3A_306 = vector.shape_cast %reduce_sum3A_305 : vector<8xf32> to vector<1x8xf32>
    %add3A_307 = arith.addf %add3A_298, %broadcast_in_dim3A_306 : vector<1x8xf32>
    %slice3A_308 = vector.extract_strided_slice %convert_element_type3A_48 {offsets = [1536, 0], sizes = [128, 8], strides = [1, 1]} : vector<2048x8xf32> to vector<128x8xf32>
    %dot_general3A_309 = arith.constant dense<0.000000e+00> : vector<128x8xf32>
    %dot_general3A_310 = tpu.matmul %convert_element_type3A_52, %slice3A_308, %dot_general3A_309 {dimension_numbers = #tpu.dot_dimension_numbers<[1], [0], [0], [1], [0, 0, 1, 1], [], []>, transpose_lhs_hint = false} : vector<128x128xf32>, vector<128x8xf32>, vector<128x8xf32> -> vector<128x8xf32>
    %add3A_311 = vector.broadcast %add3A_307 : vector<1x8xf32> to vector<128x8xf32>
    %add3A_312 = arith.addf %dot_general3A_310, %add3A_311 : vector<128x8xf32>
    %reduce_sum3A_313 = arith.constant dense<0.000000e+00> : vector<8xf32>
    %reduce_sum3A_314 = vector.multi_reduction <add>, %slice3A_308, %reduce_sum3A_313 [0] : vector<128x8xf32> to vector<8xf32>
    %broadcast_in_dim3A_315 = vector.shape_cast %reduce_sum3A_314 : vector<8xf32> to vector<1x8xf32>
    %add3A_316 = arith.addf %add3A_307, %broadcast_in_dim3A_315 : vector<1x8xf32>
    %slice3A_317 = vector.extract_strided_slice %convert_element_type3A_48 {offsets = [1664, 0], sizes = [128, 8], strides = [1, 1]} : vector<2048x8xf32> to vector<128x8xf32>
    %dot_general3A_318 = arith.constant dense<0.000000e+00> : vector<128x8xf32>
    %dot_general3A_319 = tpu.matmul %convert_element_type3A_52, %slice3A_317, %dot_general3A_318 {dimension_numbers = #tpu.dot_dimension_numbers<[1], [0], [0], [1], [0, 0, 1, 1], [], []>, transpose_lhs_hint = false} : vector<128x128xf32>, vector<128x8xf32>, vector<128x8xf32> -> vector<128x8xf32>
    %add3A_320 = vector.broadcast %add3A_316 : vector<1x8xf32> to vector<128x8xf32>
    %add3A_321 = arith.addf %dot_general3A_319, %add3A_320 : vector<128x8xf32>
    %reduce_sum3A_322 = arith.constant dense<0.000000e+00> : vector<8xf32>
    %reduce_sum3A_323 = vector.multi_reduction <add>, %slice3A_317, %reduce_sum3A_322 [0] : vector<128x8xf32> to vector<8xf32>
    %broadcast_in_dim3A_324 = vector.shape_cast %reduce_sum3A_323 : vector<8xf32> to vector<1x8xf32>
    %add3A_325 = arith.addf %add3A_316, %broadcast_in_dim3A_324 : vector<1x8xf32>
    %slice3A_326 = vector.extract_strided_slice %convert_element_type3A_48 {offsets = [1792, 0], sizes = [128, 8], strides = [1, 1]} : vector<2048x8xf32> to vector<128x8xf32>
    %dot_general3A_327 = arith.constant dense<0.000000e+00> : vector<128x8xf32>
    %dot_general3A_328 = tpu.matmul %convert_element_type3A_52, %slice3A_326, %dot_general3A_327 {dimension_numbers = #tpu.dot_dimension_numbers<[1], [0], [0], [1], [0, 0, 1, 1], [], []>, transpose_lhs_hint = false} : vector<128x128xf32>, vector<128x8xf32>, vector<128x8xf32> -> vector<128x8xf32>
    %add3A_329 = vector.broadcast %add3A_325 : vector<1x8xf32> to vector<128x8xf32>
    %add3A_330 = arith.addf %dot_general3A_328, %add3A_329 : vector<128x8xf32>
    %reduce_sum3A_331 = arith.constant dense<0.000000e+00> : vector<8xf32>
    %reduce_sum3A_332 = vector.multi_reduction <add>, %slice3A_326, %reduce_sum3A_331 [0] : vector<128x8xf32> to vector<8xf32>
    %broadcast_in_dim3A_333 = vector.shape_cast %reduce_sum3A_332 : vector<8xf32> to vector<1x8xf32>
    %add3A_334 = arith.addf %add3A_325, %broadcast_in_dim3A_333 : vector<1x8xf32>
    %slice3A_335 = vector.extract_strided_slice %convert_element_type3A_48 {offsets = [1920, 0], sizes = [128, 8], strides = [1, 1]} : vector<2048x8xf32> to vector<128x8xf32>
    %dot_general3A_336 = arith.constant dense<0.000000e+00> : vector<128x8xf32>
    %dot_general3A_337 = tpu.matmul %convert_element_type3A_52, %slice3A_335, %dot_general3A_336 {dimension_numbers = #tpu.dot_dimension_numbers<[1], [0], [0], [1], [0, 0, 1, 1], [], []>, transpose_lhs_hint = false} : vector<128x128xf32>, vector<128x8xf32>, vector<128x8xf32> -> vector<128x8xf32>
    %add3A_338 = vector.broadcast %add3A_334 : vector<1x8xf32> to vector<128x8xf32>
    %add3A_339 = arith.addf %dot_general3A_337, %add3A_338 : vector<128x8xf32>
    %reduce_sum3A_340 = arith.constant dense<0.000000e+00> : vector<8xf32>
    %reduce_sum3A_341 = vector.multi_reduction <add>, %slice3A_335, %reduce_sum3A_340 [0] : vector<128x8xf32> to vector<8xf32>
    %broadcast_in_dim3A_342 = vector.shape_cast %reduce_sum3A_341 : vector<8xf32> to vector<1x8xf32>
    %add3A_343 = arith.addf %add3A_334, %broadcast_in_dim3A_342 : vector<1x8xf32>
    %concatenate3A_344 = tpu.concatenate %add3A_204, %add3A_213, %add3A_222, %add3A_231, %add3A_240, %add3A_249, %add3A_258, %add3A_267, %add3A_276, %add3A_285, %add3A_294, %add3A_303, %add3A_312, %add3A_321, %add3A_330, %add3A_339 in 0 : vector<128x8xf32>, vector<128x8xf32>, vector<128x8xf32>, vector<128x8xf32>, vector<128x8xf32>, vector<128x8xf32>, vector<128x8xf32>, vector<128x8xf32>, vector<128x8xf32>, vector<128x8xf32>, vector<128x8xf32>, vector<128x8xf32>, vector<128x8xf32>, vector<128x8xf32>, vector<128x8xf32>, vector<128x8xf32> -> vector<2048x8xf32>
    %add3A_345 = arith.addf %add3A_197, %add3A_343 : vector<1x8xf32>
    %add3A_346 = arith.constant 1.270000e+02 : f32
    %add3A_347 = vector.broadcast %add3A_346 : f32 to vector<1x8xf32>
    %add3A_348 = arith.addf %add3A_345, %add3A_347 : vector<1x8xf32>
    %mul3A = arith.constant 7.812500e-03 : f32
    %mul3A_349 = vector.broadcast %mul3A : f32 to vector<1x8xf32>
    %mul3A_350 = arith.mulf %add3A_348, %mul3A_349 : vector<1x8xf32>
    %floor3A = math.floor %mul3A_350 : vector<1x8xf32>
    %iota3A_351 = tpu.iota {dimensions = array<i32: 0>} : vector<8x8xi32>
    %iota3A_352 = tpu.iota {dimensions = array<i32: 1>} : vector<8x8xi32>
    %lt3A = arith.cmpi slt, %iota3A_351, %iota3A_352 : vector<8x8xi32>
    %convert_element_type3A_353 = arith.extui %lt3A : vector<8x8xi1> to vector<8x8xi32>
    %convert_element_type3A_354 = arith.sitofp %convert_element_type3A_353 : vector<8x8xi32> to vector<8x8xf32>
    %dot_general3A_355 = arith.constant dense<0.000000e+00> : vector<1x8xf32>
    %dot_general3A_356 = tpu.matmul %floor3A, %convert_element_type3A_354, %dot_general3A_355 {dimension_numbers = #tpu.dot_dimension_numbers<[1], [0], [0], [1], [0, 0, 1, 1], [], []>, transpose_lhs_hint = false} : vector<1x8xf32>, vector<8x8xf32>, vector<1x8xf32> -> vector<1x8xf32>
    %mul3A_357 = arith.constant 1.280000e+02 : f32
    %mul3A_358 = vector.broadcast %mul3A_357 : f32 to vector<1x8xf32>
    %mul3A_359 = arith.mulf %dot_general3A_356, %mul3A_358 : vector<1x8xf32>
    %mul3A_360 = arith.mulf %concatenate3A, %convert_element_type3A_46 : vector<2048x8xf32>
    %reduce_sum3A_361 = arith.constant dense<0.000000e+00> : vector<2048xf32>
    %reduce_sum3A_362 = vector.multi_reduction <add>, %mul3A_360, %reduce_sum3A_361 [1] : vector<2048x8xf32> to vector<2048xf32>
    %broadcast_in_dim3A_363 = vector.shape_cast %reduce_sum3A_362 : vector<2048xf32> to vector<2048x1xf32>
    %add3A_364 = vector.broadcast %add3A_197 : vector<1x8xf32> to vector<2048x8xf32>
    %add3A_365 = arith.addf %add3A_364, %concatenate3A_344 : vector<2048x8xf32>
    %mul3A_366 = arith.mulf %add3A_365, %convert_element_type3A_48 : vector<2048x8xf32>
    %reduce_sum3A_367 = arith.constant dense<0.000000e+00> : vector<2048xf32>
    %reduce_sum3A_368 = vector.multi_reduction <add>, %mul3A_366, %reduce_sum3A_367 [1] : vector<2048x8xf32> to vector<2048xf32>
    %broadcast_in_dim3A_369 = vector.shape_cast %reduce_sum3A_368 : vector<2048xf32> to vector<2048x1xf32>
    %mul3A_370 = vector.broadcast %mul3A_359 : vector<1x8xf32> to vector<2048x8xf32>
    %mul3A_371 = arith.mulf %mul3A_370, %convert_element_type3A_46 : vector<2048x8xf32>
    %reduce_sum3A_372 = arith.constant dense<0.000000e+00> : vector<2048xf32>
    %reduce_sum3A_373 = vector.multi_reduction <add>, %mul3A_371, %reduce_sum3A_372 [1] : vector<2048x8xf32> to vector<2048xf32>
    %broadcast_in_dim3A_374 = vector.shape_cast %reduce_sum3A_373 : vector<2048xf32> to vector<2048x1xf32>
    %mul3A_375 = vector.broadcast %mul3A_359 : vector<1x8xf32> to vector<2048x8xf32>
    %mul3A_376 = arith.mulf %mul3A_375, %convert_element_type3A_48 : vector<2048x8xf32>
    %reduce_sum3A_377 = arith.constant dense<0.000000e+00> : vector<2048xf32>
    %reduce_sum3A_378 = vector.multi_reduction <add>, %mul3A_376, %reduce_sum3A_377 [1] : vector<2048x8xf32> to vector<2048xf32>
    %broadcast_in_dim3A_379 = vector.shape_cast %reduce_sum3A_378 : vector<2048xf32> to vector<2048x1xf32>
    %add3A_380 = arith.addf %broadcast_in_dim3A_374, %broadcast_in_dim3A_363 : vector<2048x1xf32>
    %convert_element_type3A_381 = arith.fptosi %add3A_380 : vector<2048x1xf32> to vector<2048x1xi32>
    %swap3A_382 = arith.constant 0 : index
    %swap3A_383 = arith.constant 0 : index
    %swap3A_384 = vector.load %arg7[%swap3A_382, %swap3A_383] : memref<2048x1xi32, #tpu.memory_space<vmem>>, vector<2048x1xi32>
    tpu.vector_store %arg7[%swap3A_382, %swap3A_383], %convert_element_type3A_381 {strides = array<i32>} : memref<2048x1xi32, #tpu.memory_space<vmem>>, vector<2048x1xi32>,
    %add3A_385 = arith.addf %broadcast_in_dim3A_379, %broadcast_in_dim3A_369 : vector<2048x1xf32>
    %convert_element_type3A_386 = arith.fptosi %add3A_385 : vector<2048x1xf32> to vector<2048x1xi32>
    %swap3A_387 = arith.constant 0 : index
    %swap3A_388 = arith.constant 0 : index
    %swap3A_389 = vector.load %arg8[%swap3A_387, %swap3A_388] : memref<2048x1xi32, #tpu.memory_space<vmem>>, vector<2048x1xi32>
    tpu.vector_store %arg8[%swap3A_387, %swap3A_388], %convert_element_type3A_386 {strides = array<i32>} : memref<2048x1xi32, #tpu.memory_space<vmem>>, vector<2048x1xi32>,
    %iota3A_390 = tpu.iota {dimensions = array<i32: 1>} : vector<8x64xi32>
    %convert_element_type3A_391 = arith.fptosi %dot_general3A_356 : vector<1x8xf32> to vector<1x8xi32>
    %broadcast_in_dim3A_392 = arith.constant 0 : i32
    %broadcast_in_dim3A_393 = vector.broadcast %broadcast_in_dim3A_392 : i32 to vector<8x64xi32>
    %slice3A_394 = vector.extract_strided_slice %convert_element_type3A_391 {offsets = [0, 0], sizes = [1, 1], strides = [1, 1]} : vector<1x8xi32> to vector<1x1xi32>
    %ge3A_395 = vector.broadcast %slice3A_394 : vector<1x1xi32> to vector<8x64xi32>
    %ge3A_396 = arith.cmpi sge, %iota3A_390, %ge3A_395 : vector<8x64xi32>
    %convert_element_type3A_397 = arith.extui %ge3A_396 : vector<8x64xi1> to vector<8x64xi32>
    %add3A_398 = arith.addi %broadcast_in_dim3A_393, %convert_element_type3A_397 : vector<8x64xi32>
    %slice3A_399 = vector.extract_strided_slice %convert_element_type3A_391 {offsets = [0, 1], sizes = [1, 1], strides = [1, 1]} : vector<1x8xi32> to vector<1x1xi32>
    %ge3A_400 = vector.broadcast %slice3A_399 : vector<1x1xi32> to vector<8x64xi32>
    %ge3A_401 = arith.cmpi sge, %iota3A_390, %ge3A_400 : vector<8x64xi32>
    %convert_element_type3A_402 = arith.extui %ge3A_401 : vector<8x64xi1> to vector<8x64xi32>
    %add3A_403 = arith.addi %add3A_398, %convert_element_type3A_402 : vector<8x64xi32>
    %slice3A_404 = vector.extract_strided_slice %convert_element_type3A_391 {offsets = [0, 2], sizes = [1, 1], strides = [1, 1]} : vector<1x8xi32> to vector<1x1xi32>
    %ge3A_405 = vector.broadcast %slice3A_404 : vector<1x1xi32> to vector<8x64xi32>
    %ge3A_406 = arith.cmpi sge, %iota3A_390, %ge3A_405 : vector<8x64xi32>
    %convert_element_type3A_407 = arith.extui %ge3A_406 : vector<8x64xi1> to vector<8x64xi32>
    %add3A_408 = arith.addi %add3A_403, %convert_element_type3A_407 : vector<8x64xi32>
    %slice3A_409 = vector.extract_strided_slice %convert_element_type3A_391 {offsets = [0, 3], sizes = [1, 1], strides = [1, 1]} : vector<1x8xi32> to vector<1x1xi32>
    %ge3A_410 = vector.broadcast %slice3A_409 : vector<1x1xi32> to vector<8x64xi32>
    %ge3A_411 = arith.cmpi sge, %iota3A_390, %ge3A_410 : vector<8x64xi32>
    %convert_element_type3A_412 = arith.extui %ge3A_411 : vector<8x64xi1> to vector<8x64xi32>
    %add3A_413 = arith.addi %add3A_408, %convert_element_type3A_412 : vector<8x64xi32>
    %slice3A_414 = vector.extract_strided_slice %convert_element_type3A_391 {offsets = [0, 4], sizes = [1, 1], strides = [1, 1]} : vector<1x8xi32> to vector<1x1xi32>
    %ge3A_415 = vector.broadcast %slice3A_414 : vector<1x1xi32> to vector<8x64xi32>
    %ge3A_416 = arith.cmpi sge, %iota3A_390, %ge3A_415 : vector<8x64xi32>
    %convert_element_type3A_417 = arith.extui %ge3A_416 : vector<8x64xi1> to vector<8x64xi32>
    %add3A_418 = arith.addi %add3A_413, %convert_element_type3A_417 : vector<8x64xi32>
    %slice3A_419 = vector.extract_strided_slice %convert_element_type3A_391 {offsets = [0, 5], sizes = [1, 1], strides = [1, 1]} : vector<1x8xi32> to vector<1x1xi32>
    %ge3A_420 = vector.broadcast %slice3A_419 : vector<1x1xi32> to vector<8x64xi32>
    %ge3A_421 = arith.cmpi sge, %iota3A_390, %ge3A_420 : vector<8x64xi32>
    %convert_element_type3A_422 = arith.extui %ge3A_421 : vector<8x64xi1> to vector<8x64xi32>
    %add3A_423 = arith.addi %add3A_418, %convert_element_type3A_422 : vector<8x64xi32>
    %slice3A_424 = vector.extract_strided_slice %convert_element_type3A_391 {offsets = [0, 6], sizes = [1, 1], strides = [1, 1]} : vector<1x8xi32> to vector<1x1xi32>
    %ge3A_425 = vector.broadcast %slice3A_424 : vector<1x1xi32> to vector<8x64xi32>
    %ge3A_426 = arith.cmpi sge, %iota3A_390, %ge3A_425 : vector<8x64xi32>
    %convert_element_type3A_427 = arith.extui %ge3A_426 : vector<8x64xi1> to vector<8x64xi32>
    %add3A_428 = arith.addi %add3A_423, %convert_element_type3A_427 : vector<8x64xi32>
    %slice3A_429 = vector.extract_strided_slice %convert_element_type3A_391 {offsets = [0, 7], sizes = [1, 1], strides = [1, 1]} : vector<1x8xi32> to vector<1x1xi32>
    %ge3A_430 = vector.broadcast %slice3A_429 : vector<1x1xi32> to vector<8x64xi32>
    %ge3A_431 = arith.cmpi sge, %iota3A_390, %ge3A_430 : vector<8x64xi32>
    %convert_element_type3A_432 = arith.extui %ge3A_431 : vector<8x64xi1> to vector<8x64xi32>
    %add3A_433 = arith.addi %add3A_428, %convert_element_type3A_432 : vector<8x64xi32>
    %sub3A_434 = arith.constant 1 : i32
    %sub3A_435 = vector.broadcast %sub3A_434 : i32 to vector<8x64xi32>
    %sub3A_436 = arith.subi %add3A_433, %sub3A_435 : vector<8x64xi32>
    %swap3A_437 = arith.constant 0 : index
    %swap3A_438 = arith.constant 0 : index
    %swap3A_439 = vector.load %arg11[%swap3A_437, %swap3A_438] : memref<8x64xi32, #tpu.memory_space<vmem>>, vector<8x64xi32>
    tpu.vector_store %arg11[%swap3A_437, %swap3A_438], %sub3A_436 {strides = array<i32>} : memref<8x64xi32, #tpu.memory_space<vmem>>, vector<8x64xi32>,
    %get3A_440 = arith.constant 0 : index
    %get3A_441 = arith.constant 0 : index
    %get3A_442 = vector.load %arg3[%get3A_440, %get3A_441] : memref<1024x512xf32, #tpu.memory_space<vmem>>, vector<1024x512xf32>
    %convert_element_type3A_443 = arith.truncf %get3A_442 : vector<1024x512xf32> to vector<1024x512xbf16>
    %get3A_444 = arith.constant 0 : index
    %get3A_445 = arith.constant 0 : index
    %get3A_446 = vector.load %arg4[%get3A_444, %get3A_445] : memref<1024x512xf32, #tpu.memory_space<vmem>>, vector<1024x512xf32>
    %convert_element_type3A_447 = arith.truncf %get3A_446 : vector<1024x512xf32> to vector<1024x512xbf16>
    %get3A_448 = arith.constant 0 : index
    %get3A_449 = arith.constant 0 : index
    %get3A_450 = vector.load %arg5[%get3A_448, %get3A_449] : memref<512x1024xf32, #tpu.memory_space<vmem>>, vector<512x1024xf32>
    %convert_element_type3A_451 = arith.truncf %get3A_450 : vector<512x1024xf32> to vector<512x1024xbf16>
    %dot_general3A_452 = arith.constant dense<0.000000e+00> : vector<2048x512xf32>
    %dot_general3A_453 = tpu.matmul %convert_element_type3A, %convert_element_type3A_443, %dot_general3A_452 {dimension_numbers = #tpu.dot_dimension_numbers<[1], [0], [0], [1], [0, 0, 1, 1], [], []>, transpose_lhs_hint = false} : vector<2048x1024xbf16>, vector<1024x512xbf16>, vector<2048x512xf32> -> vector<2048x512xf32>
    %dot_general3A_454 = arith.constant dense<0.000000e+00> : vector<2048x512xf32>
    %dot_general3A_455 = tpu.matmul %convert_element_type3A, %convert_element_type3A_447, %dot_general3A_454 {dimension_numbers = #tpu.dot_dimension_numbers<[1], [0], [0], [1], [0, 0, 1, 1], [], []>, transpose_lhs_hint = false} : vector<2048x1024xbf16>, vector<1024x512xbf16>, vector<2048x512xf32> -> vector<2048x512xf32>
    %logistic3A = arith.negf %dot_general3A_453 : vector<2048x512xf32>
    %logistic3A_456 = math.exp %logistic3A : vector<2048x512xf32>
    %logistic3A_457 = arith.constant 1.000000e+00 : f32
    %logistic3A_458 = vector.broadcast %logistic3A_457 : f32 to vector<2048x512xf32>
    %logistic3A_459 = arith.addf %logistic3A_458, %logistic3A_456 : vector<2048x512xf32>
    %logistic3A_460 = arith.divf %logistic3A_458, %logistic3A_459 : vector<2048x512xf32>
    %mul3A_461 = arith.mulf %dot_general3A_453, %logistic3A_460 : vector<2048x512xf32>
    %mul3A_462 = arith.mulf %mul3A_461, %dot_general3A_455 : vector<2048x512xf32>
    %convert_element_type3A_463 = arith.truncf %mul3A_462 : vector<2048x512xf32> to vector<2048x512xbf16>
    %dot_general3A_464 = arith.constant dense<0.000000e+00> : vector<2048x1024xf32>
    %dot_general3A_465 = tpu.matmul %convert_element_type3A_463, %convert_element_type3A_451, %dot_general3A_464 {dimension_numbers = #tpu.dot_dimension_numbers<[1], [0], [0], [1], [0, 0, 1, 1], [], []>, transpose_lhs_hint = false} : vector<2048x512xbf16>, vector<512x1024xbf16>, vector<2048x1024xf32> -> vector<2048x1024xf32>
    %swap3A_466 = arith.constant 0 : index
    %swap3A_467 = arith.constant 0 : index
    %swap3A_468 = vector.load %arg6[%swap3A_466, %swap3A_467] : memref<2048x1024xf32, #tpu.memory_space<vmem>>, vector<2048x1024xf32>
    tpu.vector_store %arg6[%swap3A_466, %swap3A_467], %dot_general3A_465 {strides = array<i32>} : memref<2048x1024xf32, #tpu.memory_space<vmem>>, vector<2048x1024xf32>,
    return
  }
  func.func @transform_0(%arg0: i32) -> (i32, i32) {
    %c0_i32 = arith.constant 0 : i32
    %c0_i32_0 = arith.constant 0 : i32
    %c0_i32_1 = arith.constant 0 : i32
    return %c0_i32, %c0_i32_0 : i32, i32
  }
  func.func @transform_1(%arg0: i32) -> (i32, i32) {
    %c0_i32 = arith.constant 0 : i32
    %c0_i32_0 = arith.constant 0 : i32
    %c0_i32_1 = arith.constant 0 : i32
    return %c0_i32, %c0_i32_0 : i32, i32
  }
  func.func @transform_2(%arg0: i32) -> (i32, i32) {
    %c0_i32 = arith.constant 0 : i32
    %c0_i32_0 = arith.constant 0 : i32
    %c0_i32_1 = arith.constant 0 : i32
    return %c0_i32, %c0_i32_0 : i32, i32
  }
  func.func @transform_3(%arg0: i32) -> (i32, i32) {
    %c0_i32 = arith.constant 0 : i32
    %c0_i32_0 = arith.constant 0 : i32
    %c0_i32_1 = arith.constant 0 : i32
    return %c0_i32, %c0_i32_0 : i32, i32
  }
  func.func @transform_4(%arg0: i32) -> (i32, i32) {
    %c0_i32 = arith.constant 0 : i32
    %c0_i32_0 = arith.constant 0 : i32
    %c0_i32_1 = arith.constant 0 : i32
    return %c0_i32, %c0_i32_0 : i32, i32
  }
  func.func @transform_5(%arg0: i32) -> (i32, i32) {
    %c0_i32 = arith.constant 0 : i32
    %c0_i32_0 = arith.constant 0 : i32
    %c0_i32_1 = arith.constant 0 : i32
    return %c0_i32, %c0_i32_0 : i32, i32
  }
  func.func @transform_6(%arg0: i32) -> (i32, i32) {
    %c0_i32 = arith.constant 0 : i32
    %c0_i32_0 = arith.constant 0 : i32
    %c0_i32_1 = arith.constant 0 : i32
    return %c0_i32, %c0_i32_0 : i32, i32
  }
  func.func @transform_7(%arg0: i32) -> (i32, i32) {
    %c0_i32 = arith.constant 0 : i32
    %c0_i32_0 = arith.constant 0 : i32
    %c0_i32_1 = arith.constant 0 : i32
    return %c0_i32, %c0_i32_0 : i32, i32
  }
  func.func @transform_8(%arg0: i32) -> (i32, i32) {
    %c0_i32 = arith.constant 0 : i32
    %c0_i32_0 = arith.constant 0 : i32
    %c0_i32_1 = arith.constant 0 : i32
    return %c0_i32, %c0_i32_0 : i32, i32
  }
  func.func @transform_9(%arg0: i32) -> (i32, i32) {
    %c0_i32 = arith.constant 0 : i32
    %c0_i32_0 = arith.constant 0 : i32
    %c0_i32_1 = arith.constant 0 : i32
    return %c0_i32, %c0_i32_0 : i32, i32
  }
  func.func @transform_10(%arg0: i32) -> (i32, i32) {
    %c0_i32 = arith.constant 0 : i32
    %c0_i32_0 = arith.constant 0 : i32
    %c0_i32_1 = arith.constant 0 : i32
    return %c0_i32, %c0_i32_0 : i32, i32
  }
}

module attributes {stable_mosaic.version = 14 : i64} {
  func.func @_k3_body(%arg0: i32, %arg1: memref<64xi32, #tpu.memory_space<smem>>, %arg2: memref<128x1024xf32, #tpu.memory_space<vmem>>, %arg3: memref<1x1024x512xbf16, #tpu.memory_space<vmem>>, %arg4: memref<1x1024x512xbf16, #tpu.memory_space<vmem>>, %arg5: memref<1x512x1024xbf16, #tpu.memory_space<vmem>>, %arg6: memref<128x1024xf32, #tpu.memory_space<vmem>>) attributes {dimension_semantics = [#tpu.dimension_semantics<arbitrary>], iteration_bounds = array<i64: 40>, scalar_prefetch = 1 : i64, scratch_operands = 0 : i64, tpu.core_type = #tpu.core_type<tc>, window_params = [{transform_indices = @transform_0, window_bounds = array<i64: 128, 1024>}, {transform_indices = @transform_1, window_bounds = array<i64: 1, 1024, 512>}, {transform_indices = @transform_2, window_bounds = array<i64: 1, 1024, 512>}, {transform_indices = @transform_3, window_bounds = array<i64: 1, 512, 1024>}, {transform_indices = @transform_4, window_bounds = array<i64: 128, 1024>}]} {
    %get3A = arith.constant 0 : index
    %get3A_0 = arith.constant 0 : index
    %get3A_1 = vector.load %arg2[%get3A, %get3A_0] : memref<128x1024xf32, #tpu.memory_space<vmem>>, vector<128x1024xf32>
    %convert_element_type3A = arith.truncf %get3A_1 : vector<128x1024xf32> to vector<128x1024xbf16>
    %get3A_2 = arith.constant 0 : index
    %get3A_3 = arith.constant 0 : index
    %get3A_4 = arith.constant 0 : index
    %get3A_5 = vector.load %arg3[%get3A_2, %get3A_3, %get3A_4] : memref<1x1024x512xbf16, #tpu.memory_space<vmem>>, vector<1x1024x512xbf16>
    %get3A_6 = vector.shape_cast %get3A_5 : vector<1x1024x512xbf16> to vector<1024x512xbf16>
    %dot_general3A = arith.constant dense<0.000000e+00> : vector<128x512xf32>
    %dot_general3A_7 = tpu.matmul %convert_element_type3A, %get3A_6, %dot_general3A {dimension_numbers = #tpu.dot_dimension_numbers<[1], [0], [0], [1], [0, 0, 1, 1], [], []>, transpose_lhs_hint = false} : vector<128x1024xbf16>, vector<1024x512xbf16>, vector<128x512xf32> -> vector<128x512xf32>
    %get3A_8 = arith.constant 0 : index
    %get3A_9 = arith.constant 0 : index
    %get3A_10 = arith.constant 0 : index
    %get3A_11 = vector.load %arg4[%get3A_8, %get3A_9, %get3A_10] : memref<1x1024x512xbf16, #tpu.memory_space<vmem>>, vector<1x1024x512xbf16>
    %get3A_12 = vector.shape_cast %get3A_11 : vector<1x1024x512xbf16> to vector<1024x512xbf16>
    %dot_general3A_13 = arith.constant dense<0.000000e+00> : vector<128x512xf32>
    %dot_general3A_14 = tpu.matmul %convert_element_type3A, %get3A_12, %dot_general3A_13 {dimension_numbers = #tpu.dot_dimension_numbers<[1], [0], [0], [1], [0, 0, 1, 1], [], []>, transpose_lhs_hint = false} : vector<128x1024xbf16>, vector<1024x512xbf16>, vector<128x512xf32> -> vector<128x512xf32>
    %logistic3A = arith.negf %dot_general3A_7 : vector<128x512xf32>
    %logistic3A_15 = math.exp %logistic3A : vector<128x512xf32>
    %logistic3A_16 = arith.constant 1.000000e+00 : f32
    %logistic3A_17 = vector.broadcast %logistic3A_16 : f32 to vector<128x512xf32>
    %logistic3A_18 = arith.addf %logistic3A_17, %logistic3A_15 : vector<128x512xf32>
    %logistic3A_19 = arith.divf %logistic3A_17, %logistic3A_18 : vector<128x512xf32>
    %mul3A = arith.mulf %dot_general3A_7, %logistic3A_19 : vector<128x512xf32>
    %mul3A_20 = arith.mulf %mul3A, %dot_general3A_14 : vector<128x512xf32>
    %convert_element_type3A_21 = arith.truncf %mul3A_20 : vector<128x512xf32> to vector<128x512xbf16>
    %get3A_22 = arith.constant 0 : index
    %get3A_23 = arith.constant 0 : index
    %get3A_24 = arith.constant 0 : index
    %get3A_25 = vector.load %arg5[%get3A_22, %get3A_23, %get3A_24] : memref<1x512x1024xbf16, #tpu.memory_space<vmem>>, vector<1x512x1024xbf16>
    %get3A_26 = vector.shape_cast %get3A_25 : vector<1x512x1024xbf16> to vector<512x1024xbf16>
    %dot_general3A_27 = arith.constant dense<0.000000e+00> : vector<128x1024xf32>
    %dot_general3A_28 = tpu.matmul %convert_element_type3A_21, %get3A_26, %dot_general3A_27 {dimension_numbers = #tpu.dot_dimension_numbers<[1], [0], [0], [1], [0, 0, 1, 1], [], []>, transpose_lhs_hint = false} : vector<128x512xbf16>, vector<512x1024xbf16>, vector<128x1024xf32> -> vector<128x1024xf32>
    %swap3A = arith.constant 0 : index
    %swap3A_29 = arith.constant 0 : index
    %swap3A_30 = vector.load %arg6[%swap3A, %swap3A_29] : memref<128x1024xf32, #tpu.memory_space<vmem>>, vector<128x1024xf32>
    tpu.vector_store %arg6[%swap3A, %swap3A_29], %dot_general3A_28 {strides = array<i32>} : memref<128x1024xf32, #tpu.memory_space<vmem>>, vector<128x1024xf32>,
    return
  }
  func.func @transform_0(%arg0: i32, %arg1: memref<64xi32, #tpu.memory_space<smem>>) -> (i32, i32) {
    %c0_i32 = arith.constant 0 : i32
    %c0_i32_0 = arith.constant 0 : i32
    return %arg0, %c0_i32 : i32, i32
  }
  func.func @transform_1(%arg0: i32, %arg1: memref<64xi32, #tpu.memory_space<smem>>) -> (i32, i32, i32) {
    %get3A = arith.index_cast %arg0 : i32 to index
    %get3A_0 = memref.load %arg1[%get3A] : memref<64xi32, #tpu.memory_space<smem>>
    %c0_i32 = arith.constant 0 : i32
    %c0_i32_1 = arith.constant 0 : i32
    %c0_i32_2 = arith.constant 0 : i32
    return %get3A_0, %c0_i32, %c0_i32_1 : i32, i32, i32
  }
  func.func @transform_2(%arg0: i32, %arg1: memref<64xi32, #tpu.memory_space<smem>>) -> (i32, i32, i32) {
    %get3A = arith.index_cast %arg0 : i32 to index
    %get3A_0 = memref.load %arg1[%get3A] : memref<64xi32, #tpu.memory_space<smem>>
    %c0_i32 = arith.constant 0 : i32
    %c0_i32_1 = arith.constant 0 : i32
    %c0_i32_2 = arith.constant 0 : i32
    return %get3A_0, %c0_i32, %c0_i32_1 : i32, i32, i32
  }
  func.func @transform_3(%arg0: i32, %arg1: memref<64xi32, #tpu.memory_space<smem>>) -> (i32, i32, i32) {
    %get3A = arith.index_cast %arg0 : i32 to index
    %get3A_0 = memref.load %arg1[%get3A] : memref<64xi32, #tpu.memory_space<smem>>
    %c0_i32 = arith.constant 0 : i32
    %c0_i32_1 = arith.constant 0 : i32
    %c0_i32_2 = arith.constant 0 : i32
    return %get3A_0, %c0_i32, %c0_i32_1 : i32, i32, i32
  }
  func.func @transform_4(%arg0: i32, %arg1: memref<64xi32, #tpu.memory_space<smem>>) -> (i32, i32) {
    %c0_i32 = arith.constant 0 : i32
    %c0_i32_0 = arith.constant 0 : i32
    return %arg0, %c0_i32 : i32, i32
  }
}

module attributes {stable_mosaic.version = 14 : i64} {
  func.func @_k4b_body(%arg0: i32, %arg1: memref<2048x1024xf32, #tpu.memory_space<vmem>>, %arg2: memref<2048x1024xf32, #tpu.memory_space<vmem>>, %arg3: memref<2048x1024xf32, #tpu.memory_space<vmem>>, %arg4: memref<2048x1xf32, #tpu.memory_space<vmem>>, %arg5: memref<2048x1xf32, #tpu.memory_space<vmem>>, %arg6: memref<2048x1024xf32, #tpu.memory_space<vmem>>) attributes {dimension_semantics = [#tpu.dimension_semantics<arbitrary>], iteration_bounds = array<i64: 1>, scalar_prefetch = 0 : i64, scratch_operands = 0 : i64, tpu.core_type = #tpu.core_type<tc>, window_params = [{pipeline_mode = #tpu.pipeline_mode<synchronous>, transform_indices = @transform_0, window_bounds = array<i64: 2048, 1024>}, {pipeline_mode = #tpu.pipeline_mode<synchronous>, transform_indices = @transform_1, window_bounds = array<i64: 2048, 1024>}, {pipeline_mode = #tpu.pipeline_mode<synchronous>, transform_indices = @transform_2, window_bounds = array<i64: 2048, 1024>}, {pipeline_mode = #tpu.pipeline_mode<synchronous>, transform_indices = @transform_3, window_bounds = array<i64: 2048, 1>}, {pipeline_mode = #tpu.pipeline_mode<synchronous>, transform_indices = @transform_4, window_bounds = array<i64: 2048, 1>}, {pipeline_mode = #tpu.pipeline_mode<synchronous>, transform_indices = @transform_5, window_bounds = array<i64: 2048, 1024>}]} {
    %get3A = arith.constant 0 : index
    %get3A_0 = arith.constant 0 : index
    %get3A_1 = vector.load %arg4[%get3A, %get3A_0] : memref<2048x1xf32, #tpu.memory_space<vmem>>, vector<2048x1xf32>
    %get3A_2 = arith.constant 0 : index
    %get3A_3 = arith.constant 0 : index
    %get3A_4 = vector.load %arg1[%get3A_2, %get3A_3] : memref<2048x1024xf32, #tpu.memory_space<vmem>>, vector<2048x1024xf32>
    %mul3A = vector.broadcast %get3A_1 : vector<2048x1xf32> to vector<2048x1024xf32>
    %mul3A_5 = arith.mulf %mul3A, %get3A_4 : vector<2048x1024xf32>
    %get3A_6 = arith.constant 0 : index
    %get3A_7 = arith.constant 0 : index
    %get3A_8 = vector.load %arg5[%get3A_6, %get3A_7] : memref<2048x1xf32, #tpu.memory_space<vmem>>, vector<2048x1xf32>
    %get3A_9 = arith.constant 0 : index
    %get3A_10 = arith.constant 0 : index
    %get3A_11 = vector.load %arg2[%get3A_9, %get3A_10] : memref<2048x1024xf32, #tpu.memory_space<vmem>>, vector<2048x1024xf32>
    %mul3A_12 = vector.broadcast %get3A_8 : vector<2048x1xf32> to vector<2048x1024xf32>
    %mul3A_13 = arith.mulf %mul3A_12, %get3A_11 : vector<2048x1024xf32>
    %add3A = arith.addf %mul3A_5, %mul3A_13 : vector<2048x1024xf32>
    %get3A_14 = arith.constant 0 : index
    %get3A_15 = arith.constant 0 : index
    %get3A_16 = vector.load %arg3[%get3A_14, %get3A_15] : memref<2048x1024xf32, #tpu.memory_space<vmem>>, vector<2048x1024xf32>
    %add3A_17 = arith.addf %add3A, %get3A_16 : vector<2048x1024xf32>
    %swap3A = arith.constant 0 : index
    %swap3A_18 = arith.constant 0 : index
    %swap3A_19 = vector.load %arg6[%swap3A, %swap3A_18] : memref<2048x1024xf32, #tpu.memory_space<vmem>>, vector<2048x1024xf32>
    tpu.vector_store %arg6[%swap3A, %swap3A_18], %add3A_17 {strides = array<i32>} : memref<2048x1024xf32, #tpu.memory_space<vmem>>, vector<2048x1024xf32>,
    return
  }
  func.func @transform_0(%arg0: i32) -> (i32, i32) {
    %c0_i32 = arith.constant 0 : i32
    %c0_i32_0 = arith.constant 0 : i32
    %c0_i32_1 = arith.constant 0 : i32
    return %c0_i32, %c0_i32_0 : i32, i32
  }
  func.func @transform_1(%arg0: i32) -> (i32, i32) {
    %c0_i32 = arith.constant 0 : i32
    %c0_i32_0 = arith.constant 0 : i32
    %c0_i32_1 = arith.constant 0 : i32
    return %c0_i32, %c0_i32_0 : i32, i32
  }
  func.func @transform_2(%arg0: i32) -> (i32, i32) {
    %c0_i32 = arith.constant 0 : i32
    %c0_i32_0 = arith.constant 0 : i32
    %c0_i32_1 = arith.constant 0 : i32
    return %c0_i32, %c0_i32_0 : i32, i32
  }
  func.func @transform_3(%arg0: i32) -> (i32, i32) {
    %c0_i32 = arith.constant 0 : i32
    %c0_i32_0 = arith.constant 0 : i32
    %c0_i32_1 = arith.constant 0 : i32
    return %c0_i32, %c0_i32_0 : i32, i32
  }
  func.func @transform_4(%arg0: i32) -> (i32, i32) {
    %c0_i32 = arith.constant 0 : i32
    %c0_i32_0 = arith.constant 0 : i32
    %c0_i32_1 = arith.constant 0 : i32
    return %c0_i32, %c0_i32_0 : i32, i32
  }
  func.func @transform_5(%arg0: i32) -> (i32, i32) {
    %c0_i32 = arith.constant 0 : i32
    %c0_i32_0 = arith.constant 0 : i32
    %c0_i32_1 = arith.constant 0 : i32
    return %c0_i32, %c0_i32_0 : i32, i32
  }
}

</mosaic_0001>

<sc_bundles>
// kernel: kernel.10.cloned.1.call-start
scs
__scs_entry_jumppad:
0x0: {  	(pc) =	sbr.rel $0x88, $3  }
0x1: {  	(tag) =	ssettag $0x0;
	lr =	simm.s32 $0x1  }
0x2: {  	[smem:$0x3F99] =	sst lr;
	_ =	strace $0xD0000000  }
0x3: {  	_ = 	snop  }
0x4: {  	_ = 	snop  }
0x5: {  	_ = 	snop  }
0x6: {  	_ = 	snop  }
0x7: {  	_ = 	snop  }
__scs_overlays_trampoline_lowered:
0x8: {  	[smem:$0x3FA8] =	sst s0  }
0x9: {  	[smem:$0x3FA9] =	sst s1  }
0xa: {  	[smem:$0x3FAA] =	sst s2  }
0xb: {  	[smem:$0x3FAB] =	sst s3  }
0xc: {  	[smem:$0x3FAC] =	sst s4  }
0xd: {  	[smem:$0x3FAD] =	sst s5  }
0xe: {  	[smem:$0x3FAE] =	sst s6  }
0xf: {  	[smem:$0x3FAF] =	sst s7  }
0x10: {  	[smem:$0x3FB0] =	sst s8  }
0x11: {  	[smem:$0x3FB1] =	sst s9;
	s0 =	simm.s32 @!p0 $0x0  }
0x12: {  	s1 =	sld [smem:$0x3F97];
	s0 =	simm.s32 @p0 $0x1  }
0x13: {  	[smem:$0x3FB2] =	sst s0;
	s0 =	simm.s32 @!p1 $0x0  }
0x14: {  	s2 =	sld [smem:$0x3F96];
	s0 =	simm.s32 @p1 $0x1  }
0x15: {  	[smem:$0x3FB3] =	sst s0;
	s0 =	simm.s32 @!p2 $0x0  }
0x16: {  	s3 =	sld [smem:$0x3FDB];
	s0 =	simm.s32 @p2 $0x1  }
0x17: {  	s4 =	simm.s32 $0x1BF5;
	[smem:$0x3FB5] =	sst s0  }
0x18: {  	s0 =	sld [smem:$0x3F98];
	_ =	swait.ge [sflag:s4], $0x0  }
0x19: {  	s7 =	sld [smem:$0x3F99]  }
0x1a: {  	s8 =	sadd.s32 $0xFFFFE003, lr  }
0x1b: {  	s9 =	sadd.s32 $0xFFFFFEF7, lr;
	s5 =	simm.s32 $0xFFFFFFFF;
	p2 =	slt.u32 s8, $0xFFFFF086  }
0x1c: {  	p1 =	slt.u32 s9, $0xF7A;
	s5 =	simm.s32 @!p2 $0x0  }
0x1d: {  	s5 =	simm.s32 @p1 $0x1;
	p0 =	seq.s32 s7, s2  }
0x1e: {  	s7 =	smul.u32 @!p0 $0xF7A, s2;
	p2 =	seq.s32 @!p0 s5, $0x0  }
0x1f: {  	s9 =	smul.u32 $0xF7A, s1;
	s8 =	simm.s32 @!p0 $0x1BF5;
	p2 =	por !p2, p0  }
0x20: {  	[sflag:s8] =	ssyncset.s32 @!p0 $0xFFFFF086;
	s6 =	sadd.s32 @!p0 s3, s7;
	s7 =	simm.s32 @!p0 $0x108  }
0x21: {  	s3 =	sadd.s32 s3, s9;
	s6 =	sadd.s32 @!p0 $0x88, s6;
	s7 =	simm.s32 @p2 $0x1082  }
0x22: {  	[simem:s7], [sflag:s8] =	dma.local @!p0 [hbm:s6], $0xF7A  }
0x23: {  	s9 =	sor.u32 $0xD0000000, s2;
	s6 =	simm.s32 $0x108;
	_ =	swait.ge @!p0 [sflag:s8], $0x0  }
0x24: {  	s3 =	sadd.s32 $0x88, s3;
	s6 =	simm.s32 @!p1 $0x1082;
	[sflag:s4] =	ssyncset.s32 $0xFFFFF086  }
0x25: {  	[simem:s6], [sflag:s4] =	dma.local [hbm:s3], $0xF7A  }
0x26: {  	[smem:$0x3F99] =	sst s1;
	(tag) =	ssettag s2;
	_ =	strace s9  }
0x27: {  	s1 =	sld [smem:$0x3FA9]  }
0x28: {  	s2 =	sld [smem:$0x3FAA]  }
0x29: {  	s4 =	sld [smem:$0x3FAC]  }
0x2a: {  	p0 =	seq.s32 s5, $0x0;
	s5 =	sld [smem:$0x3FAD]  }
0x2b: {  	s6 =	sld [smem:$0x3FAE]  }
0x2c: {  	s7 =	sld [smem:$0x3FAF]  }
0x2d: {  	s3 =	simm.s32 $0x108;
	s8 =	sld [smem:$0x3FB0]  }
0x2e: {  	s3 =	simm.s32 @!p0 $0x1082;
	s9 =	sld [smem:$0x3FB1]  }
0x2f: {  	lr =	sadd.s32 s0, s3;
	s0 =	sld [smem:$0x3FA8]  }
0x30: {  	s3 =	sld [smem:$0x3FAB]  }
0x31: {  	[smem:$0x3FB4] =	sst s10  }
0x32: {  	s10 =	sld [smem:$0x3FB2];
	_ =	sdelay $0x3  }
0x33: {  	p0 =	seq.s32 s10, $0x1;
	s10 =	sld [smem:$0x3FB4];
	_ =	sdelay $0x3  }
0x34: {  	[smem:$0x3FB4] =	sst s10  }
0x35: {  	s10 =	sld [smem:$0x3FB3];
	_ =	sdelay $0x3  }
0x36: {  	p1 =	seq.s32 s10, $0x1;
	s10 =	sld [smem:$0x3FB4];
	_ =	sdelay $0x3  }
0x37: {  	[smem:$0x3FB4] =	sst s10  }
0x38: {  	s10 =	sld [smem:$0x3FB5]  }
0x39: {  	_ = 	snop;
	(pc) =	sbr.ind lr, $3  }
0x3a: {  	_ = 	snop  }
0x3b: {  	_ = 	snop  }
0x3c: {  	p2 =	seq.s32 s10, $0x1;
	s10 =	sld [smem:$0x3FB4]  }
0x3d: {  	_ =	shalt  }
0x3e: {  	_ =	shalt  }
0x3f: {  	_ =	shalt  }
0x40: {  	_ =	shalt  }
0x41: {  	_ =	shalt  }
0x42: {  	_ =	shalt  }
0x43: {  	_ =	shalt  }
0x44: {  	_ =	shalt  }
0x45: {  	_ =	shalt  }
0x46: {  	_ =	shalt  }
0x47: {  	_ =	shalt  }
0x48: {  	_ =	shalt  }
0x49: {  	_ =	shalt  }
0x4a: {  	_ =	shalt  }
0x4b: {  	_ =	shalt  }
0x4c: {  	_ =	shalt  }
0x4d: {  	_ =	shalt  }
0x4e: {  	_ =	shalt  }
0x4f: {  	_ =	shalt  }
0x50: {  	_ =	shalt  }
0x51: {  	_ =	shalt  }
0x52: {  	_ =	shalt  }
0x53: {  	_ =	shalt  }
0x54: {  	_ =	shalt  }
0x55: {  	_ =	shalt  }
0x56: {  	_ =	shalt  }
0x57: {  	_ =	shalt  }
0x58: {  	_ =	shalt  }
0x59: {  	_ =	shalt  }
0x5a: {  	_ =	shalt  }
0x5b: {  	_ =	shalt  }
0x5c: {  	_ =	shalt  }
0x5d: {  	_ =	shalt  }
0x5e: {  	_ =	shalt  }
0x5f: {  	_ =	shalt  }
0x60: {  	_ =	shalt  }
0x61: {  	_ =	shalt  }
0x62: {  	_ =	shalt  }
0x63: {  	_ =	shalt  }
0x64: {  	_ =	shalt  }
0x65: {  	_ =	shalt  }
0x66: {  	_ =	shalt  }
0x67: {  	_ =	shalt  }
0x68: {  	_ =	shalt  }
0x69: {  	_ =	shalt  }
0x6a: {  	_ =	shalt  }
0x6b: {  	_ =	shalt  }
0x6c: {  	_ =	shalt  }
0x6d: {  	_ =	shalt  }
0x6e: {  	_ =	shalt  }
0x6f: {  	_ =	shalt  }
0x70: {  	_ =	shalt  }
0x71: {  	_ =	shalt  }
0x72: {  	_ =	shalt  }
0x73: {  	_ =	shalt  }
0x74: {  	_ =	shalt  }
0x75: {  	_ =	shalt  }
0x76: {  	_ =	shalt  }
0x77: {  	_ =	shalt  }
0x78: {  	_ =	shalt  }
0x79: {  	_ =	shalt  }
0x7a: {  	_ =	shalt  }
0x7b: {  	_ =	shalt  }
0x7c: {  	_ =	shalt  }
0x7d: {  	_ =	shalt  }
0x7e: {  	_ =	shalt  }
0x7f: {  	_ =	shalt  }
0x80: {  	_ =	shalt  }
0x81: {  	_ =	shalt  }
0x82: {  	_ =	shalt  }
0x83: {  	_ =	shalt  }
0x84: {  	_ =	shalt  }
0x85: {  	_ =	shalt  }
0x86: {  	_ =	shalt  }
0x87: {  	_ =	shalt  }
.Lfunc_end0:
.L_simem_size_0:
called_computation.1_lowered:
.L_overlay_start_0:
0x88: {  	s2 =	sld [smem:$0x3FD9]  }
0x89: {  	s3 =	sld [smem:$0x3FFE];
	_ =	sdelay $0x1  }
0x8a: {  	s1 =	srdreg.scid  }
0x8b: {  	s0 =	sand.u32 $0x1, s1  }
0x8c: {  	s17 =	sshll.u32 s0, $0xA;
	s2 =	sadd.s32 s3, s2  }
0x8d: {  	s2 =	sadd.s32 s2, s17  }
0x8e: {  	[smem:$0x3FC0] =	sst s2  }
0x8f: {  	_ = 	snop  }
0x90: {  	s2 =	sld [smem:$0x3FD0];
	(tm) =	ssettm $0x1  }
0x91: {  	s18 =	sld [smem:$0x3FFB];
	_ =	sdelay $0x3  }
0x92: {  	_ =	strace s18  }
0x93: {  	s3 =	sld [smem:$0x3FFC];
	_ =	sdelay $0x3  }
0x94: {  	_ =	strace s3  }
0x95: {  	s3 =	sld [smem:$0x3FFD];
	_ =	sdelay $0x3  }
0x96: {  	_ =	strace s3  }
0x97: {  	_ =	strace $0x8FFFFFFF  }
0x98: {  	s19 =	sld [smem:$0x3FDB];
	_ =	sdelay $0x1  }
0x99: {  	s4 =	simm.s32 $_scs_section_size  }
0x9a: {  	s5 =	simm.s32 $_size__tile_overlayer_lowered;
	s6 =	simm.s32 $_tile_overlayer_lowered  }
0x9b: {  	s22 =	simm.s32 $0x1BFF;
	s21 =	sshll.u32 s6, $0x1;
	s3 =	sadd.s32 s4, s19  }
0x9c: {  	s7 =	simm.s32 $0x0;
	s20 =	sshll.u32 s5, $0x1;
	s5 =	sadd.s32 s21, s3  }
0x9d: {  	[timem:s7], [sflag:s22] =	dma.local [hbm:s5], s20  }
0x9e: {  	_ =	swait.ge [sflag:s22], s20  }
0x9f: {  	s4 =	ssub.s32 $0x0, s20;
	[sflag:s22] =	ssyncset.done $0x0  }
0xa0: {  	[sflag:s22] =	ssyncadd.s32 s4;
	_ =	sdelay $0x1  }
0xa1: {  	s23 =	simm.s32 $0x1B8B  }
0xa2: {  	_ =	swait.ge [sflag:s23], $0x1  }
0xa3: {  	[sflag:s23] =	ssyncset.done $0x0  }
0xa4: {  	s25 =	simm.s32 $0x1B8E;
	s24 =	sld [smem:$0x3FFE];
	[sflag:s23] =	ssyncadd.s32 $0xFFFFFFFF  }
0xa5: {  	s26 =	simm.s32 $execute0_lowered;
	[smem:$0x3FD2] =	sst s25  }
0xa6: {  	s5 =	sshll.u32 s26, $0x1;
	_ =	strace $0x80000049;
	[dreg:$0x1] =	wrdreg $0xFFFFFFFF  }
0xa7: {  	s28 =	simm.s32 $_size_execute0_lowered;
	s3 =	sadd.s32 s3, s5;
	[dreg:$0x0] =	wrdreg $0x0  }
0xa8: {  	s5 =	sshll.u32 s28, $0x1;
	[dreg:$0x2] =	wrdreg s3  }
0xa9: {  	[dreg:$0x3] =	wrdreg s5  }
0xaa: {  	[dreg:$0x4] =	wrdreg $0xC0  }
0xab: {  	_ =	task [dreg:s7], $0x5FFFF  }
0xac: {  	[dreg:$0x1] =	wrdreg $0xFFFFFFFF  }
0xad: {  	[dreg:$0x0] =	wrdreg $0x60  }
0xae: {  	[dreg:$0x2] =	wrdreg s24  }
0xaf: {  	[dreg:$0x3] =	wrdreg s2  }
0xb0: {  	[dreg:$0x4] =	wrdreg $0x9  }
0xb1: {  	_ =	task.clear_ibuf [dreg:s7], $0x5FFFF;
	_ =	strace $0x90000049  }
0xb2: {  	s29 =	simm.s32 $0x9;
	_ =	strace $0x8000004B  }
0xb3: {  	_ =	swait.ge [sflag:s29], $0x1  }
0xb4: {  	[sflag:s29] =	ssyncadd.s32 $0xFFFFFFFF  }
0xb5: {  	_ =	strace $0x9000004B  }
0xb6: {  	_ =	sfence  }
0xb7: {  	s30 =	sld [smem:$0x0];
	_ =	sdelay $0x2  }
0xb8: {  	s31 =	sshll.u32 s1, $0xD;
	s1 =	sshrl.u32 s1, $0x2  }
0xb9: {  	s3 =	sand.u32 $0x4000, s31;
	s1 =	sadd.s32 s1, s30  }
0xba: {  	s0 =	sor.u32 s3, s0;
	s1 =	sshll.u32 s1, $0x11  }
0xbb: {  	s0 =	sor.u32 s1, s0  }
0xbc: {  	s0 =	sadd.s32 $0x8F2B, s0  }
0xbd: {  	[sflag:s0] =	ssyncadd.remote.s32 $0x1  }
0xbe: {  	_ =	sfence.sel $0xFFFF  }
0xbf: {  	[dreg:$0x0] =	wrdreg $0xFFFFFFFF;
	(pc) =	sbr.abs _section_cstart, $3  }
0xc0: {  	[dreg:$0x1] =	wrdreg $0xFFFFFFFF  }
0xc1: {  	_ =	task.clear_ibuf [dreg:s7], $0x2FFFF;
	_ =	strace $0x9FFFFFFF  }
0xc2: {  	(tm) =	ssettm $0x7FFFFFFF  }
0xc3: {  	_ =	shalt  }
tec
execute0_lowered:
.L_overlay_start_1:
0x0: {  	(tag) =	ssettag $0x1  }
0x1: {  	s0 =	rddreg [dreg:$0x0]  }
0x2: {  	s1 =	rddreg [dreg:$0x1]  }
0x3: {  	s2 =	simm.s32 $0x0;
	s3 =	srdreg.scid;
	s5 =	stileid.u32  }
0x4: {  	s18 =	simm.s32 $0x1;
	s20 =	simm.s32 $0x880;
	s21 =	simm.s32 $0x1080  }
0x5: {  	s22 =	simm.s32 $0x1880;
	s28 =	simm.s32 $0x4080;
	s29 =	simm.s32 $0x4880  }
0x6: {  	s30 =	simm.s32 $0x5080;
	s31 =	simm.s32 $0x5880;
	s10 =	simm.s32 $0x7080  }
0x7: {  	s11 =	simm.s32 $0x7880;
	s12 =	simm.s32 $0x8080;
	s13 =	simm.s32 $0x8880  }
0x8: {  	s14 =	simm.s32 $0x9080;
	s15 =	simm.s32 $0x9880;
	s16 =	simm.s32 $0xA080  }
0x9: {  	s17 =	simm.s32 $0xA880;
	s9 =	simm.s32 $0xB080;
	[smem:$0x7FF] =	sst s2  }
0xa: {  	s4 =	sand.u32 $0x1, s3;
	s23 =	sshll.u32 s5, $0x1;
	s3 =	sadd.s32 $0xE2800, s0  }
0xb: {  	_ =	strace $0x8000004A;
	s5 =	sor.u32 s4, s23;
	s4 =	ssub.s32 $0x2, s4  }
0xc: {  	s23 =	simm.s32 $0x2080;
	s6 =	sshll.u32 s5, $0x4;
	s5 =	sshll.u32 s5, $0xD  }
0xd: {  	s7 =	sshrl.u32 s4, $0x1;
	s6 =	sadd.s32 s6, s0;
	s8 =	sadd.s32 s5, s0  }
0xe: {  	s7 =	ssub.s32 s4, s7;
	s4 =	sadd.s32 $0xE2900, s0;
	s1 =	sadd.s32 s1, s5  }
0xf: {  	s5 =	sadd.s32 $0xE2A00, s0;
	s24 =	sadd.s32 $0x42400, s6;
	[dreg:$0x4] =	wrdreg s1  }
0x10: {  	s25 =	sadd.s32 $0x42600, s6;
	s6 =	sadd.s32 $0xE2B00, s0;
	[dreg:$0x3] =	wrdreg s24  }
0x11: {  	v2 =	vlaneseq.u32;
	s26 =	sadd.s32 $0x42800, s8;
	s7 =	smax.u32 s7, $0x1;
	[dreg:$0x5] =	wrdreg s25  }
0x12: {  	vm0 =	vmmov $0xffff;
	v1 =	vshrl.u32 v2, $0x3;
	s8 =	simm.s32 $0x2;
	s0 =	simm.s32 $0x80;
	[dreg:$0x6] =	wrdreg s26  }
0x13: {  	v0 =	vand.u32 $0x7, v2;
	v2 =	vor.u32 $0x8, v2;
	v1 =	vmul.u32 $0x8, v1;
	s24 =	simm.s32 $0x2880;
	s25 =	simm.s32 $0x3080;
	s26 =	simm.s32 $0x3880  }
.LBB2_1:
0x14: {  	s19 =	rddreg [dreg:$0x3]  }
0x15: {  	[tilespmem:s2], [sflag:$0x2] =	stream.linear.gather [hbm4b:s19+s2], $0x80, $0x38;
	[tilespmem:$0x10080] =	vst v63  }
0x16: {  	_ =	swait.ge [sflag:s8], $0x80  }
0x17: {  	[sflag:s8] =	ssyncset.done $0x0  }
0x18: {  	[sflag:s8] =	ssyncadd.s32 $0xFFFFFF80  }
0x19: {  	v3 =	vld [tilespmem:$0x0];
	_ =	sdelay $0x4  }
0x1a: {  	v4 =	vshll.u32 v3, $0x3  }
0x1b: {  	v3 =	vand.u32 $0x7, v3;
	v4 =	vand.u32 $0xFFFFFFC0, v4  }
0x1c: {  	v3 =	vor.u32 v3, v4  }
0x1d: {  	v4 =	vperm.xlane v3, v0;
	_ =	sdelay $0x1  }
0x1e: {  	v4 =	vadd.s32 v1, v4;
	_ =	sdelay $0x4  }
0x1f: {  	[tilespmem:s0], [sflag:$0x1] =	stream.indirect_vreg.gather [hbm4b:s3+s2], $0x80, v4, vm0, $0xb8;
	[tilespmem:$0x10080] =	vst v63  }
0x20: {  	v3 =	vperm.xlane v3, v2  }
0x21: {  	[tilespmem:s20], [sflag:$0x1] =	stream.indirect_vreg.gather [hbm4b:s4+s2], $0x80, v4, vm0, $0xb8;
	[tilespmem:$0x10080] =	vst v63  }
0x22: {  	v3 =	vadd.s32 v1, v3  }
0x23: {  	[tilespmem:s21], [sflag:$0x1] =	stream.indirect_vreg.gather [hbm4b:s5+s2], $0x80, v4, vm0, $0xb8;
	[tilespmem:$0x10080] =	vst v63  }
0x24: {  	_ = 	snop  }
0x25: {  	[tilespmem:s22], [sflag:$0x1] =	stream.indirect_vreg.gather [hbm4b:s6+s2], $0x80, v4, vm0, $0xb8;
	[tilespmem:$0x10080] =	vst v63  }
0x26: {  	_ = 	snop  }
0x27: {  	[tilespmem:s23], [sflag:$0x1] =	stream.indirect_vreg.gather [hbm4b:s3+s2], $0x80, v3, vm0, $0xb8;
	[tilespmem:$0x10080] =	vst v63  }
0x28: {  	_ = 	snop  }
0x29: {  	[tilespmem:s24], [sflag:$0x1] =	stream.indirect_vreg.gather [hbm4b:s4+s2], $0x80, v3, vm0, $0xb8;
	[tilespmem:$0x10080] =	vst v63  }
0x2a: {  	_ = 	snop  }
0x2b: {  	[tilespmem:s25], [sflag:$0x1] =	stream.indirect_vreg.gather [hbm4b:s5+s2], $0x80, v3, vm0, $0xb8;
	[tilespmem:$0x10080] =	vst v63  }
0x2c: {  	_ = 	snop  }
0x2d: {  	[tilespmem:s26], [sflag:$0x1] =	stream.indirect_vreg.gather [hbm4b:s6+s2], $0x80, v3, vm0, $0xb8;
	[tilespmem:$0x10080] =	vst v63  }
0x2e: {  	v3 =	vld [tilespmem:$0x10];
	_ =	sdelay $0x4  }
0x2f: {  	v57 =	vshll.u32 v3, $0x3  }
0x30: {  	v3 =	vand.u32 $0x7, v3;
	v4 =	vand.u32 $0xFFFFFFC0, v57  }
0x31: {  	v3 =	vor.u32 v3, v4  }
0x32: {  	v4 =	vperm.xlane v3, v0;
	_ =	sdelay $0x1  }
0x33: {  	v4 =	vadd.s32 v1, v4;
	_ =	sdelay $0x4  }
0x34: {  	[tilespmem:s28], [sflag:$0x1] =	stream.indirect_vreg.gather [hbm4b:s3+s2], $0x80, v4, vm0, $0xb8;
	[tilespmem:$0x10080] =	vst v63  }
0x35: {  	v3 =	vperm.xlane v3, v2  }
0x36: {  	[tilespmem:s29], [sflag:$0x1] =	stream.indirect_vreg.gather [hbm4b:s4+s2], $0x80, v4, vm0, $0xb8;
	[tilespmem:$0x10080] =	vst v63  }
0x37: {  	v3 =	vadd.s32 v1, v3  }
0x38: {  	[tilespmem:s30], [sflag:$0x1] =	stream.indirect_vreg.gather [hbm4b:s5+s2], $0x80, v4, vm0, $0xb8;
	[tilespmem:$0x10080] =	vst v63  }
0x39: {  	_ = 	snop  }
0x3a: {  	[tilespmem:s31], [sflag:$0x1] =	stream.indirect_vreg.gather [hbm4b:s6+s2], $0x80, v4, vm0, $0xb8;
	[tilespmem:$0x10080] =	vst v63  }
0x3b: {  	s1 =	simm.s32 $0x6080  }
0x3c: {  	[tilespmem:s1], [sflag:$0x1] =	stream.indirect_vreg.gather [hbm4b:s3+s2], $0x80, v3, vm0, $0xb8;
	[tilespmem:$0x10080] =	vst v63  }
0x3d: {  	s1 =	simm.s32 $0x6880  }
0x3e: {  	[tilespmem:s1], [sflag:$0x1] =	stream.indirect_vreg.gather [hbm4b:s4+s2], $0x80, v3, vm0, $0xb8;
	[tilespmem:$0x10080] =	vst v63  }
0x3f: {  	_ = 	snop  }
0x40: {  	[tilespmem:s10], [sflag:$0x1] =	stream.indirect_vreg.gather [hbm4b:s5+s2], $0x80, v3, vm0, $0xb8;
	[tilespmem:$0x10080] =	vst v63  }
0x41: {  	_ = 	snop  }
0x42: {  	[tilespmem:s11], [sflag:$0x1] =	stream.indirect_vreg.gather [hbm4b:s6+s2], $0x80, v3, vm0, $0xb8;
	[tilespmem:$0x10080] =	vst v63  }
0x43: {  	v3 =	vld [tilespmem:$0x20];
	_ =	sdelay $0x4  }
0x44: {  	v58 =	vshll.u32 v3, $0x3  }
0x45: {  	v3 =	vand.u32 $0x7, v3;
	v4 =	vand.u32 $0xFFFFFFC0, v58  }
0x46: {  	v3 =	vor.u32 v3, v4  }
0x47: {  	v4 =	vperm.xlane v3, v0;
	_ =	sdelay $0x1  }
0x48: {  	v4 =	vadd.s32 v1, v4;
	_ =	sdelay $0x4  }
0x49: {  	[tilespmem:s12], [sflag:$0x1] =	stream.indirect_vreg.gather [hbm4b:s3+s2], $0x80, v4, vm0, $0xb8;
	[tilespmem:$0x10080] =	vst v63  }
0x4a: {  	v3 =	vperm.xlane v3, v2  }
0x4b: {  	[tilespmem:s13], [sflag:$0x1] =	stream.indirect_vreg.gather [hbm4b:s4+s2], $0x80, v4, vm0, $0xb8;
	[tilespmem:$0x10080] =	vst v63  }
0x4c: {  	v3 =	vadd.s32 v1, v3  }
0x4d: {  	[tilespmem:s14], [sflag:$0x1] =	stream.indirect_vreg.gather [hbm4b:s5+s2], $0x80, v4, vm0, $0xb8;
	[tilespmem:$0x10080] =	vst v63  }
0x4e: {  	_ = 	snop  }
0x4f: {  	[tilespmem:s15], [sflag:$0x1] =	stream.indirect_vreg.gather [hbm4b:s6+s2], $0x80, v4, vm0, $0xb8;
	[tilespmem:$0x10080] =	vst v63  }
0x50: {  	_ = 	snop  }
0x51: {  	[tilespmem:s16], [sflag:$0x1] =	stream.indirect_vreg.gather [hbm4b:s3+s2], $0x80, v3, vm0, $0xb8;
	[tilespmem:$0x10080] =	vst v63  }
0x52: {  	_ = 	snop  }
0x53: {  	[tilespmem:s17], [sflag:$0x1] =	stream.indirect_vreg.gather [hbm4b:s4+s2], $0x80, v3, vm0, $0xb8;
	[tilespmem:$0x10080] =	vst v63  }
0x54: {  	_ = 	snop  }
0x55: {  	[tilespmem:s9], [sflag:$0x1] =	stream.indirect_vreg.gather [hbm4b:s5+s2], $0x80, v3, vm0, $0xb8;
	[tilespmem:$0x10080] =	vst v63  }
0x56: {  	s19 =	simm.s32 $0xB880  }
0x57: {  	[tilespmem:s19], [sflag:$0x1] =	stream.indirect_vreg.gather [hbm4b:s6+s2], $0x80, v3, vm0, $0xb8;
	[tilespmem:$0x10080] =	vst v63  }
0x58: {  	v3 =	vld [tilespmem:$0x30];
	_ =	sdelay $0x4  }
0x59: {  	v59 =	vshll.u32 v3, $0x3  }
0x5a: {  	v3 =	vand.u32 $0x7, v3;
	v4 =	vand.u32 $0xFFFFFFC0, v59  }
0x5b: {  	v3 =	vor.u32 v3, v4  }
0x5c: {  	v4 =	vperm.xlane v3, v0;
	_ =	sdelay $0x1  }
0x5d: {  	v4 =	vadd.s32 v1, v4;
	_ =	sdelay $0x3  }
0x5e: {  	s19 =	simm.s32 $0xC080  }
0x5f: {  	[tilespmem:s19], [sflag:$0x1] =	stream.indirect_vreg.gather [hbm4b:s3+s2], $0x80, v4, vm0, $0xb8;
	[tilespmem:$0x10080] =	vst v63  }
0x60: {  	v3 =	vperm.xlane v3, v2;
	s19 =	simm.s32 $0xC880  }
0x61: {  	[tilespmem:s19], [sflag:$0x1] =	stream.indirect_vreg.gather [hbm4b:s4+s2], $0x80, v4, vm0, $0xb8;
	[tilespmem:$0x10080] =	vst v63  }
0x62: {  	v3 =	vadd.s32 v1, v3;
	s19 =	simm.s32 $0xD080  }
0x63: {  	[tilespmem:s19], [sflag:$0x1] =	stream.indirect_vreg.gather [hbm4b:s5+s2], $0x80, v4, vm0, $0xb8;
	[tilespmem:$0x10080] =	vst v63  }
0x64: {  	s19 =	simm.s32 $0xD880  }
0x65: {  	[tilespmem:s19], [sflag:$0x1] =	stream.indirect_vreg.gather [hbm4b:s6+s2], $0x80, v4, vm0, $0xb8;
	[tilespmem:$0x10080] =	vst v63  }
0x66: {  	s19 =	simm.s32 $0xE080  }
0x67: {  	[tilespmem:s19], [sflag:$0x1] =	stream.indirect_vreg.gather [hbm4b:s3+s2], $0x80, v3, vm0, $0xb8;
	[tilespmem:$0x10080] =	vst v63  }
0x68: {  	s19 =	simm.s32 $0xE880  }
0x69: {  	[tilespmem:s19], [sflag:$0x1] =	stream.indirect_vreg.gather [hbm4b:s4+s2], $0x80, v3, vm0, $0xb8;
	[tilespmem:$0x10080] =	vst v63  }
0x6a: {  	s19 =	simm.s32 $0xF080  }
0x6b: {  	[tilespmem:s19], [sflag:$0x1] =	stream.indirect_vreg.gather [hbm4b:s5+s2], $0x80, v3, vm0, $0xb8;
	[tilespmem:$0x10080] =	vst v63  }
0x6c: {  	s19 =	simm.s32 $0xF880  }
0x6d: {  	[tilespmem:s19], [sflag:$0x1] =	stream.indirect_vreg.gather [hbm4b:s6+s2], $0x80, v3, vm0, $0xb8;
	[tilespmem:$0x10080] =	vst v63  }
0x6e: {  	_ =	swait.ge [sflag:s18], $0x10000  }
0x6f: {  	[sflag:s18] =	ssyncset.done $0x0  }
0x70: {  	s19 =	rddreg [dreg:$0x4];
	[sflag:s18] =	ssyncadd.s32 $0xFFFF0000  }
0x71: {  	[hbm4b:s19+s2] =	stream.linear.scatter [tilespmem:s0], [sflag:$0x2], $0x10000, $0x38;
	[tilespmem:$0x10080] =	vst v63  }
0x72: {  	_ =	swait.ge [sflag:s8], $0x10000  }
0x73: {  	[sflag:s8] =	ssyncset.done $0x0  }
0x74: {  	s19 =	rddreg [dreg:$0x5];
	[sflag:s8] =	ssyncadd.s32 $0xFFFF0000  }
0x75: {  	[tilespmem:s2], [sflag:$0x2] =	stream.linear.gather [hbm4b:s19+s2], $0x80, $0x38;
	[tilespmem:$0x10080] =	vst v63  }
0x76: {  	_ =	swait.ge [sflag:s8], $0x80  }
0x77: {  	[sflag:s8] =	ssyncset.done $0x0  }
0x78: {  	[sflag:s8] =	ssyncadd.s32 $0xFFFFFF80  }
0x79: {  	v3 =	vld [tilespmem:$0x0];
	_ =	sdelay $0x4  }
0x7a: {  	v60 =	vshll.u32 v3, $0x3  }
0x7b: {  	v3 =	vand.u32 $0x7, v3;
	v4 =	vand.u32 $0xFFFFFFC0, v60  }
0x7c: {  	v3 =	vor.u32 v3, v4  }
0x7d: {  	v4 =	vperm.xlane v3, v0;
	_ =	sdelay $0x1  }
0x7e: {  	v4 =	vadd.s32 v1, v4;
	_ =	sdelay $0x4  }
0x7f: {  	[tilespmem:s0], [sflag:$0x1] =	stream.indirect_vreg.gather [hbm4b:s3+s2], $0x80, v4, vm0, $0xb8;
	[tilespmem:$0x10080] =	vst v63  }
0x80: {  	v3 =	vperm.xlane v3, v2  }
0x81: {  	[tilespmem:s20], [sflag:$0x1] =	stream.indirect_vreg.gather [hbm4b:s4+s2], $0x80, v4, vm0, $0xb8;
	[tilespmem:$0x10080] =	vst v63  }
0x82: {  	v3 =	vadd.s32 v1, v3  }
0x83: {  	[tilespmem:s21], [sflag:$0x1] =	stream.indirect_vreg.gather [hbm4b:s5+s2], $0x80, v4, vm0, $0xb8;
	[tilespmem:$0x10080] =	vst v63  }
0x84: {  	_ = 	snop  }
0x85: {  	[tilespmem:s22], [sflag:$0x1] =	stream.indirect_vreg.gather [hbm4b:s6+s2], $0x80, v4, vm0, $0xb8;
	[tilespmem:$0x10080] =	vst v63  }
0x86: {  	_ = 	snop  }
0x87: {  	[tilespmem:s23], [sflag:$0x1] =	stream.indirect_vreg.gather [hbm4b:s3+s2], $0x80, v3, vm0, $0xb8;
	[tilespmem:$0x10080] =	vst v63  }
0x88: {  	_ = 	snop  }
0x89: {  	[tilespmem:s24], [sflag:$0x1] =	stream.indirect_vreg.gather [hbm4b:s4+s2], $0x80, v3, vm0, $0xb8;
	[tilespmem:$0x10080] =	vst v63  }
0x8a: {  	_ = 	snop  }
0x8b: {  	[tilespmem:s25], [sflag:$0x1] =	stream.indirect_vreg.gather [hbm4b:s5+s2], $0x80, v3, vm0, $0xb8;
	[tilespmem:$0x10080] =	vst v63  }
0x8c: {  	_ = 	snop  }
0x8d: {  	[tilespmem:s26], [sflag:$0x1] =	stream.indirect_vreg.gather [hbm4b:s6+s2], $0x80, v3, vm0, $0xb8;
	[tilespmem:$0x10080] =	vst v63  }
0x8e: {  	v3 =	vld [tilespmem:$0x10];
	_ =	sdelay $0x4  }
0x8f: {  	v61 =	vshll.u32 v3, $0x3  }
0x90: {  	v3 =	vand.u32 $0x7, v3;
	v4 =	vand.u32 $0xFFFFFFC0, v61  }
0x91: {  	v3 =	vor.u32 v3, v4  }
0x92: {  	v4 =	vperm.xlane v3, v0;
	_ =	sdelay $0x1  }
0x93: {  	v4 =	vadd.s32 v1, v4;
	_ =	sdelay $0x4  }
0x94: {  	[tilespmem:s28], [sflag:$0x1] =	stream.indirect_vreg.gather [hbm4b:s3+s2], $0x80, v4, vm0, $0xb8;
	[tilespmem:$0x10080] =	vst v63  }
0x95: {  	v3 =	vperm.xlane v3, v2  }
0x96: {  	[tilespmem:s29], [sflag:$0x1] =	stream.indirect_vreg.gather [hbm4b:s4+s2], $0x80, v4, vm0, $0xb8;
	[tilespmem:$0x10080] =	vst v63  }
0x97: {  	v3 =	vadd.s32 v1, v3  }
0x98: {  	[tilespmem:s30], [sflag:$0x1] =	stream.indirect_vreg.gather [hbm4b:s5+s2], $0x80, v4, vm0, $0xb8;
	[tilespmem:$0x10080] =	vst v63  }
0x99: {  	_ = 	snop  }
0x9a: {  	[tilespmem:s31], [sflag:$0x1] =	stream.indirect_vreg.gather [hbm4b:s6+s2], $0x80, v4, vm0, $0xb8;
	[tilespmem:$0x10080] =	vst v63  }
0x9b: {  	s19 =	simm.s32 $0x6080  }
0x9c: {  	[tilespmem:s19], [sflag:$0x1] =	stream.indirect_vreg.gather [hbm4b:s3+s2], $0x80, v3, vm0, $0xb8;
	[tilespmem:$0x10080] =	vst v63  }
0x9d: {  	_ = 	snop  }
0x9e: {  	[tilespmem:s1], [sflag:$0x1] =	stream.indirect_vreg.gather [hbm4b:s4+s2], $0x80, v3, vm0, $0xb8;
	[tilespmem:$0x10080] =	vst v63  }
0x9f: {  	_ = 	snop  }
0xa0: {  	[tilespmem:s10], [sflag:$0x1] =	stream.indirect_vreg.gather [hbm4b:s5+s2], $0x80, v3, vm0, $0xb8;
	[tilespmem:$0x10080] =	vst v63  }
0xa1: {  	_ = 	snop  }
0xa2: {  	[tilespmem:s11], [sflag:$0x1] =	stream.indirect_vreg.gather [hbm4b:s6+s2], $0x80, v3, vm0, $0xb8;
	[tilespmem:$0x10080] =	vst v63  }
0xa3: {  	v3 =	vld [tilespmem:$0x20];
	_ =	sdelay $0x4  }
0xa4: {  	v62 =	vshll.u32 v3, $0x3  }
0xa5: {  	v3 =	vand.u32 $0x7, v3;
	v4 =	vand.u32 $0xFFFFFFC0, v62  }
0xa6: {  	v3 =	vor.u32 v3, v4  }
0xa7: {  	v4 =	vperm.xlane v3, v0;
	_ =	sdelay $0x1  }
0xa8: {  	v4 =	vadd.s32 v1, v4;
	_ =	sdelay $0x4  }
0xa9: {  	[tilespmem:s12], [sflag:$0x1] =	stream.indirect_vreg.gather [hbm4b:s3+s2], $0x80, v4, vm0, $0xb8;
	[tilespmem:$0x10080] =	vst v63  }
0xaa: {  	v3 =	vperm.xlane v3, v2  }
0xab: {  	[tilespmem:s13], [sflag:$0x1] =	stream.indirect_vreg.gather [hbm4b:s4+s2], $0x80, v4, vm0, $0xb8;
	[tilespmem:$0x10080] =	vst v63  }
0xac: {  	v3 =	vadd.s32 v1, v3  }
0xad: {  	[tilespmem:s14], [sflag:$0x1] =	stream.indirect_vreg.gather [hbm4b:s5+s2], $0x80, v4, vm0, $0xb8;
	[tilespmem:$0x10080] =	vst v63  }
0xae: {  	_ = 	snop  }
0xaf: {  	[tilespmem:s15], [sflag:$0x1] =	stream.indirect_vreg.gather [hbm4b:s6+s2], $0x80, v4, vm0, $0xb8;
	[tilespmem:$0x10080] =	vst v63  }
0xb0: {  	_ = 	snop  }
0xb1: {  	[tilespmem:s16], [sflag:$0x1] =	stream.indirect_vreg.gather [hbm4b:s3+s2], $0x80, v3, vm0, $0xb8;
	[tilespmem:$0x10080] =	vst v63  }
0xb2: {  	_ = 	snop  }
0xb3: {  	[tilespmem:s17], [sflag:$0x1] =	stream.indirect_vreg.gather [hbm4b:s4+s2], $0x80, v3, vm0, $0xb8;
	[tilespmem:$0x10080] =	vst v63  }
0xb4: {  	_ = 	snop  }
0xb5: {  	[tilespmem:s9], [sflag:$0x1] =	stream.indirect_vreg.gather [hbm4b:s5+s2], $0x80, v3, vm0, $0xb8;
	[tilespmem:$0x10080] =	vst v63  }
0xb6: {  	s19 =	simm.s32 $0xB880  }
0xb7: {  	[tilespmem:s19], [sflag:$0x1] =	stream.indirect_vreg.gather [hbm4b:s6+s2], $0x80, v3, vm0, $0xb8;
	[tilespmem:$0x10080] =	vst v63  }
0xb8: {  	v3 =	vld [tilespmem:$0x30];
	_ =	sdelay $0x4  }
0xb9: {  	v63 =	vshll.u32 v3, $0x3  }
0xba: {  	v3 =	vand.u32 $0x7, v3;
	v4 =	vand.u32 $0xFFFFFFC0, v63  }
0xbb: {  	v3 =	vor.u32 v3, v4  }
0xbc: {  	v4 =	vperm.xlane v3, v0;
	_ =	sdelay $0x1  }
0xbd: {  	v4 =	vadd.s32 v1, v4;
	_ =	sdelay $0x3  }
0xbe: {  	s19 =	simm.s32 $0xC080  }
0xbf: {  	[tilespmem:s19], [sflag:$0x1] =	stream.indirect_vreg.gather [hbm4b:s3+s2], $0x80, v4, vm0, $0xb8;
	[tilespmem:$0x10080] =	vst v63  }
0xc0: {  	v3 =	vperm.xlane v3, v2;
	s19 =	simm.s32 $0xC880  }
0xc1: {  	[tilespmem:s19], [sflag:$0x1] =	stream.indirect_vreg.gather [hbm4b:s4+s2], $0x80, v4, vm0, $0xb8;
	[tilespmem:$0x10080] =	vst v63  }
0xc2: {  	v3 =	vadd.s32 v1, v3;
	s19 =	simm.s32 $0xD080  }
0xc3: {  	[tilespmem:s19], [sflag:$0x1] =	stream.indirect_vreg.gather [hbm4b:s5+s2], $0x80, v4, vm0, $0xb8;
	[tilespmem:$0x10080] =	vst v63  }
0xc4: {  	s19 =	simm.s32 $0xD880  }
0xc5: {  	[tilespmem:s19], [sflag:$0x1] =	stream.indirect_vreg.gather [hbm4b:s6+s2], $0x80, v4, vm0, $0xb8;
	[tilespmem:$0x10080] =	vst v63  }
0xc6: {  	s19 =	simm.s32 $0xE080  }
0xc7: {  	[tilespmem:s19], [sflag:$0x1] =	stream.indirect_vreg.gather [hbm4b:s3+s2], $0x80, v3, vm0, $0xb8;
	[tilespmem:$0x10080] =	vst v63  }
0xc8: {  	s19 =	simm.s32 $0xE880  }
0xc9: {  	[tilespmem:s19], [sflag:$0x1] =	stream.indirect_vreg.gather [hbm4b:s4+s2], $0x80, v3, vm0, $0xb8;
	[tilespmem:$0x10080] =	vst v63  }
0xca: {  	s19 =	simm.s32 $0xF080  }
0xcb: {  	[tilespmem:s19], [sflag:$0x1] =	stream.indirect_vreg.gather [hbm4b:s5+s2], $0x80, v3, vm0, $0xb8;
	[tilespmem:$0x10080] =	vst v63  }
0xcc: {  	s19 =	simm.s32 $0xF880  }
0xcd: {  	[tilespmem:s19], [sflag:$0x1] =	stream.indirect_vreg.gather [hbm4b:s6+s2], $0x80, v3, vm0, $0xb8;
	[tilespmem:$0x10080] =	vst v63  }
0xce: {  	_ =	swait.ge [sflag:s18], $0x10000  }
0xcf: {  	p0 =	sne.s32 s7, $0x1;
	[sflag:s18] =	ssyncset.done $0x0  }
.Ltmp0:
0xd0: {  	s1 =	rddreg [dreg:$0x6];
	[sflag:s18] =	ssyncadd.s32 $0xFFFF0000;
	(pc) =	sbr.rel @p0 .LBB2_1-.Ltmp0, $4  }
0xd1: {  	[hbm4b:s1+s2] =	stream.linear.scatter [tilespmem:s0], [sflag:$0x2], $0x10000, $0x38;
	[tilespmem:$0x10080] =	vst v63  }
0xd2: {  	_ =	swait.ge [sflag:s8], $0x10000  }
0xd3: {  	[sflag:s8] =	ssyncset.done $0x0  }
0xd4: {  	s7 =	sadd.s32 $0xFFFFFFFF, s7;
	[sflag:s8] =	ssyncadd.s32 $0xFFFF0000  }
0xd5: {  	_ =	sfence.sel $0x180000  }
0xd6: {  	[bflag:$0x0] =	sbarrier.arrive $0xFFFF  }
0xd7: {  	_ =	strace $0x9000004A  }
0xd8: {  	s0 =	stileid.u32;
	[bflag:$0x2] =	sbarrier.arrive $0xFFFF  }
0xd9: {  	p0 =	sne.s32 s0, $0x0;
	s0 =	rddreg [dreg:$0x2]  }
0xda: {  	s0 =	sadd.s32 @!p0 $0x100000, s0  }
0xdb: {  	[sflag:s0] =	ssyncadd.tile.s32 @!p0 $0x1;
	_ =	shalt  }
.Lfunc_end2:
_tile_overlayer_lowered:
.L_overlay_start_2:
0xdc: {  	(tag) =	ssettag $0x2  }
0xdd: {  	s0 =	rddreg [dreg:$0x0];
	s2 =	stileid.u32  }
0xde: {  	s1 =	rddreg [dreg:$0x1];
	p0 =	sne.s32 s2, $0x0  }
0xdf: {  	s3 =	rddreg [dreg:$0x2];
	[bflag:$0x3] =	sbarrier.arrive $0xFFFF;
	s2 =	simm.s32 @!p0 $0x1C02  }
0xe0: {  	[timem:s3], [sflag:s2] =	dma.local @!p0 [hbm:s0], s1  }
0xe1: {  	s0 =	simm.s32 @!p0 $0x2  }
0xe2: {  	_ =	swait.ge @!p0 [sflag:s0], s1  }
0xe3: {  	s1 =	ssub.s32 @!p0 $0x0, s1;
	[sflag:s0] =	ssyncset.done @!p0 $0x0  }
0xe4: {  	[sflag:s0] =	ssyncadd.s32 @!p0 s1  }
0xe5: {  	[bflag:$0x3] =	sbarrier.arrive $0xFFFF  }
0xe6: {  	_ =	shalt  }

// kernel: kernel.7.cloned.1.call-start
scs
__scs_entry_jumppad:
0x0: {  	(pc) =	sbr.rel $0x88, $3  }
0x1: {  	(tag) =	ssettag $0x0;
	lr =	simm.s32 $0x1  }
0x2: {  	[smem:$0x3F99] =	sst lr;
	_ =	strace $0xD0000000  }
0x3: {  	_ = 	snop  }
0x4: {  	_ = 	snop  }
0x5: {  	_ = 	snop  }
0x6: {  	_ = 	snop  }
0x7: {  	_ = 	snop  }
__scs_overlays_trampoline_lowered:
0x8: {  	[smem:$0x3FA8] =	sst s0  }
0x9: {  	[smem:$0x3FA9] =	sst s1  }
0xa: {  	[smem:$0x3FAA] =	sst s2  }
0xb: {  	[smem:$0x3FAB] =	sst s3  }
0xc: {  	[smem:$0x3FAC] =	sst s4  }
0xd: {  	[smem:$0x3FAD] =	sst s5  }
0xe: {  	[smem:$0x3FAE] =	sst s6  }
0xf: {  	[smem:$0x3FAF] =	sst s7  }
0x10: {  	[smem:$0x3FB0] =	sst s8  }
0x11: {  	[smem:$0x3FB1] =	sst s9;
	s0 =	simm.s32 @!p0 $0x0  }
0x12: {  	s1 =	sld [smem:$0x3F97];
	s0 =	simm.s32 @p0 $0x1  }
0x13: {  	[smem:$0x3FB2] =	sst s0;
	s0 =	simm.s32 @!p1 $0x0  }
0x14: {  	s2 =	sld [smem:$0x3F96];
	s0 =	simm.s32 @p1 $0x1  }
0x15: {  	[smem:$0x3FB3] =	sst s0;
	s0 =	simm.s32 @!p2 $0x0  }
0x16: {  	s3 =	sld [smem:$0x3FDB];
	s0 =	simm.s32 @p2 $0x1  }
0x17: {  	s4 =	simm.s32 $0x1BF5;
	[smem:$0x3FB5] =	sst s0  }
0x18: {  	s0 =	sld [smem:$0x3F98];
	_ =	swait.ge [sflag:s4], $0x0  }
0x19: {  	s7 =	sld [smem:$0x3F99]  }
0x1a: {  	s8 =	sadd.s32 $0xFFFFE003, lr  }
0x1b: {  	s9 =	sadd.s32 $0xFFFFFEF7, lr;
	s5 =	simm.s32 $0xFFFFFFFF;
	p2 =	slt.u32 s8, $0xFFFFF086  }
0x1c: {  	p1 =	slt.u32 s9, $0xF7A;
	s5 =	simm.s32 @!p2 $0x0  }
0x1d: {  	s5 =	simm.s32 @p1 $0x1;
	p0 =	seq.s32 s7, s2  }
0x1e: {  	s7 =	smul.u32 @!p0 $0xF7A, s2;
	p2 =	seq.s32 @!p0 s5, $0x0  }
0x1f: {  	s9 =	smul.u32 $0xF7A, s1;
	s8 =	simm.s32 @!p0 $0x1BF5;
	p2 =	por !p2, p0  }
0x20: {  	[sflag:s8] =	ssyncset.s32 @!p0 $0xFFFFF086;
	s6 =	sadd.s32 @!p0 s3, s7;
	s7 =	simm.s32 @!p0 $0x108  }
0x21: {  	s3 =	sadd.s32 s3, s9;
	s6 =	sadd.s32 @!p0 $0x88, s6;
	s7 =	simm.s32 @p2 $0x1082  }
0x22: {  	[simem:s7], [sflag:s8] =	dma.local @!p0 [hbm:s6], $0xF7A  }
0x23: {  	s9 =	sor.u32 $0xD0000000, s2;
	s6 =	simm.s32 $0x108;
	_ =	swait.ge @!p0 [sflag:s8], $0x0  }
0x24: {  	s3 =	sadd.s32 $0x88, s3;
	s6 =	simm.s32 @!p1 $0x1082;
	[sflag:s4] =	ssyncset.s32 $0xFFFFF086  }
0x25: {  	[simem:s6], [sflag:s4] =	dma.local [hbm:s3], $0xF7A  }
0x26: {  	[smem:$0x3F99] =	sst s1;
	(tag) =	ssettag s2;
	_ =	strace s9  }
0x27: {  	s1 =	sld [smem:$0x3FA9]  }
0x28: {  	s2 =	sld [smem:$0x3FAA]  }
0x29: {  	s4 =	sld [smem:$0x3FAC]  }
0x2a: {  	p0 =	seq.s32 s5, $0x0;
	s5 =	sld [smem:$0x3FAD]  }
0x2b: {  	s6 =	sld [smem:$0x3FAE]  }
0x2c: {  	s7 =	sld [smem:$0x3FAF]  }
0x2d: {  	s3 =	simm.s32 $0x108;
	s8 =	sld [smem:$0x3FB0]  }
0x2e: {  	s3 =	simm.s32 @!p0 $0x1082;
	s9 =	sld [smem:$0x3FB1]  }
0x2f: {  	lr =	sadd.s32 s0, s3;
	s0 =	sld [smem:$0x3FA8]  }
0x30: {  	s3 =	sld [smem:$0x3FAB]  }
0x31: {  	[smem:$0x3FB4] =	sst s10  }
0x32: {  	s10 =	sld [smem:$0x3FB2];
	_ =	sdelay $0x3  }
0x33: {  	p0 =	seq.s32 s10, $0x1;
	s10 =	sld [smem:$0x3FB4];
	_ =	sdelay $0x3  }
0x34: {  	[smem:$0x3FB4] =	sst s10  }
0x35: {  	s10 =	sld [smem:$0x3FB3];
	_ =	sdelay $0x3  }
0x36: {  	p1 =	seq.s32 s10, $0x1;
	s10 =	sld [smem:$0x3FB4];
	_ =	sdelay $0x3  }
0x37: {  	[smem:$0x3FB4] =	sst s10  }
0x38: {  	s10 =	sld [smem:$0x3FB5]  }
0x39: {  	_ = 	snop;
	(pc) =	sbr.ind lr, $3  }
0x3a: {  	_ = 	snop  }
0x3b: {  	_ = 	snop  }
0x3c: {  	p2 =	seq.s32 s10, $0x1;
	s10 =	sld [smem:$0x3FB4]  }
0x3d: {  	_ =	shalt  }
0x3e: {  	_ =	shalt  }
0x3f: {  	_ =	shalt  }
0x40: {  	_ =	shalt  }
0x41: {  	_ =	shalt  }
0x42: {  	_ =	shalt  }
0x43: {  	_ =	shalt  }
0x44: {  	_ =	shalt  }
0x45: {  	_ =	shalt  }
0x46: {  	_ =	shalt  }
0x47: {  	_ =	shalt  }
0x48: {  	_ =	shalt  }
0x49: {  	_ =	shalt  }
0x4a: {  	_ =	shalt  }
0x4b: {  	_ =	shalt  }
0x4c: {  	_ =	shalt  }
0x4d: {  	_ =	shalt  }
0x4e: {  	_ =	shalt  }
0x4f: {  	_ =	shalt  }
0x50: {  	_ =	shalt  }
0x51: {  	_ =	shalt  }
0x52: {  	_ =	shalt  }
0x53: {  	_ =	shalt  }
0x54: {  	_ =	shalt  }
0x55: {  	_ =	shalt  }
0x56: {  	_ =	shalt  }
0x57: {  	_ =	shalt  }
0x58: {  	_ =	shalt  }
0x59: {  	_ =	shalt  }
0x5a: {  	_ =	shalt  }
0x5b: {  	_ =	shalt  }
0x5c: {  	_ =	shalt  }
0x5d: {  	_ =	shalt  }
0x5e: {  	_ =	shalt  }
0x5f: {  	_ =	shalt  }
0x60: {  	_ =	shalt  }
0x61: {  	_ =	shalt  }
0x62: {  	_ =	shalt  }
0x63: {  	_ =	shalt  }
0x64: {  	_ =	shalt  }
0x65: {  	_ =	shalt  }
0x66: {  	_ =	shalt  }
0x67: {  	_ =	shalt  }
0x68: {  	_ =	shalt  }
0x69: {  	_ =	shalt  }
0x6a: {  	_ =	shalt  }
0x6b: {  	_ =	shalt  }
0x6c: {  	_ =	shalt  }
0x6d: {  	_ =	shalt  }
0x6e: {  	_ =	shalt  }
0x6f: {  	_ =	shalt  }
0x70: {  	_ =	shalt  }
0x71: {  	_ =	shalt  }
0x72: {  	_ =	shalt  }
0x73: {  	_ =	shalt  }
0x74: {  	_ =	shalt  }
0x75: {  	_ =	shalt  }
0x76: {  	_ =	shalt  }
0x77: {  	_ =	shalt  }
0x78: {  	_ =	shalt  }
0x79: {  	_ =	shalt  }
0x7a: {  	_ =	shalt  }
0x7b: {  	_ =	shalt  }
0x7c: {  	_ =	shalt  }
0x7d: {  	_ =	shalt  }
0x7e: {  	_ =	shalt  }
0x7f: {  	_ =	shalt  }
0x80: {  	_ =	shalt  }
0x81: {  	_ =	shalt  }
0x82: {  	_ =	shalt  }
0x83: {  	_ =	shalt  }
0x84: {  	_ =	shalt  }
0x85: {  	_ =	shalt  }
0x86: {  	_ =	shalt  }
0x87: {  	_ =	shalt  }
.Lfunc_end0:
.L_simem_size_0:
called_computation_lowered:
.L_overlay_start_0:
0x88: {  	s2 =	sld [smem:$0x3FD9]  }
0x89: {  	s3 =	sld [smem:$0x3FFE];
	_ =	sdelay $0x1  }
0x8a: {  	s1 =	srdreg.scid  }
0x8b: {  	s0 =	sand.u32 $0x1, s1  }
0x8c: {  	s17 =	sshll.u32 s0, $0xA;
	s2 =	sadd.s32 s3, s2  }
0x8d: {  	s2 =	sadd.s32 s2, s17  }
0x8e: {  	[smem:$0x3FC0] =	sst s2  }
0x8f: {  	_ = 	snop  }
0x90: {  	s2 =	sld [smem:$0x3FC9];
	(tm) =	ssettm $0x1  }
0x91: {  	s18 =	sld [smem:$0x3FFB];
	_ =	sdelay $0x3  }
0x92: {  	_ =	strace s18  }
0x93: {  	s3 =	sld [smem:$0x3FFC];
	_ =	sdelay $0x3  }
0x94: {  	_ =	strace s3  }
0x95: {  	s3 =	sld [smem:$0x3FFD];
	_ =	sdelay $0x3  }
0x96: {  	_ =	strace s3  }
0x97: {  	_ =	strace $0x8FFFFFFF  }
0x98: {  	s19 =	sld [smem:$0x3FDB];
	_ =	sdelay $0x1  }
0x99: {  	s4 =	simm.s32 $_scs_section_size  }
0x9a: {  	s5 =	simm.s32 $_size__tile_overlayer_lowered;
	s6 =	simm.s32 $_tile_overlayer_lowered  }
0x9b: {  	s22 =	simm.s32 $0x1BFF;
	s21 =	sshll.u32 s6, $0x1;
	s3 =	sadd.s32 s4, s19  }
0x9c: {  	s7 =	simm.s32 $0x0;
	s20 =	sshll.u32 s5, $0x1;
	s5 =	sadd.s32 s21, s3  }
0x9d: {  	[timem:s7], [sflag:s22] =	dma.local [hbm:s5], s20  }
0x9e: {  	_ =	swait.ge [sflag:s22], s20  }
0x9f: {  	s4 =	ssub.s32 $0x0, s20;
	[sflag:s22] =	ssyncset.done $0x0  }
0xa0: {  	[sflag:s22] =	ssyncadd.s32 s4;
	_ =	sdelay $0x1  }
0xa1: {  	s23 =	simm.s32 $0x1B8B  }
0xa2: {  	_ =	swait.ge [sflag:s23], $0x1  }
0xa3: {  	[sflag:s23] =	ssyncset.done $0x0  }
0xa4: {  	s25 =	simm.s32 $0x1B8E;
	s24 =	sld [smem:$0x3FFE];
	[sflag:s23] =	ssyncadd.s32 $0xFFFFFFFF  }
0xa5: {  	s26 =	simm.s32 $execute0_lowered;
	[smem:$0x3FD2] =	sst s25  }
0xa6: {  	s5 =	sshll.u32 s26, $0x1;
	_ =	strace $0x80000046;
	[dreg:$0x1] =	wrdreg $0xFFFFFFFF  }
0xa7: {  	s28 =	simm.s32 $_size_execute0_lowered;
	s3 =	sadd.s32 s3, s5;
	[dreg:$0x0] =	wrdreg $0x0  }
0xa8: {  	s5 =	sshll.u32 s28, $0x1;
	[dreg:$0x2] =	wrdreg s3  }
0xa9: {  	[dreg:$0x3] =	wrdreg s5  }
0xaa: {  	[dreg:$0x4] =	wrdreg $0xC0  }
0xab: {  	_ =	task [dreg:s7], $0x5FFFF  }
0xac: {  	[dreg:$0x1] =	wrdreg $0xFFFFFFFF  }
0xad: {  	[dreg:$0x0] =	wrdreg $0x60  }
0xae: {  	[dreg:$0x2] =	wrdreg s2  }
0xaf: {  	[dreg:$0x3] =	wrdreg s24  }
0xb0: {  	[dreg:$0x4] =	wrdreg $0x9  }
0xb1: {  	_ =	task.clear_ibuf [dreg:s7], $0x5FFFF;
	_ =	strace $0x90000046  }
0xb2: {  	s29 =	simm.s32 $0x9;
	_ =	strace $0x80000048  }
0xb3: {  	_ =	swait.ge [sflag:s29], $0x1  }
0xb4: {  	[sflag:s29] =	ssyncadd.s32 $0xFFFFFFFF  }
0xb5: {  	_ =	strace $0x90000048  }
0xb6: {  	_ =	sfence  }
0xb7: {  	s30 =	sld [smem:$0x0];
	_ =	sdelay $0x2  }
0xb8: {  	s31 =	sshll.u32 s1, $0xD;
	s1 =	sshrl.u32 s1, $0x2  }
0xb9: {  	s3 =	sand.u32 $0x4000, s31;
	s1 =	sadd.s32 s1, s30  }
0xba: {  	s0 =	sor.u32 s3, s0;
	s1 =	sshll.u32 s1, $0x11  }
0xbb: {  	s0 =	sor.u32 s1, s0  }
0xbc: {  	s0 =	sadd.s32 $0x8F2B, s0  }
0xbd: {  	[sflag:s0] =	ssyncadd.remote.s32 $0x1  }
0xbe: {  	_ =	sfence.sel $0xFFFF  }
0xbf: {  	[dreg:$0x0] =	wrdreg $0xFFFFFFFF;
	(pc) =	sbr.abs _section_cstart, $3  }
0xc0: {  	[dreg:$0x1] =	wrdreg $0xFFFFFFFF  }
0xc1: {  	_ =	task.clear_ibuf [dreg:s7], $0x2FFFF;
	_ =	strace $0x9FFFFFFF  }
0xc2: {  	(tm) =	ssettm $0x7FFFFFFF  }
0xc3: {  	_ =	shalt  }
tec
execute0_lowered:
.L_overlay_start_1:
0x0: {  	(tag) =	ssettag $0x1  }
0x1: {  	s3 =	stileid.u32;
	s0 =	rddreg [dreg:$0x0]  }
0x2: {  	s1 =	srdreg.scid;
	s4 =	rddreg [dreg:$0x1];
	s10 =	simm.s32 $0x2  }
0x3: {  	s19 =	simm.s32 $0x1;
	s21 =	simm.s32 $0x880;
	s22 =	simm.s32 $0x1080  }
0x4: {  	s23 =	simm.s32 $0x1880;
	s24 =	simm.s32 $0x2080;
	s28 =	simm.s32 $0x3880  }
0x5: {  	s29 =	simm.s32 $0x4080;
	s30 =	simm.s32 $0x4880;
	s31 =	simm.s32 $0x5080  }
0x6: {  	s11 =	simm.s32 $0x7080;
	s12 =	simm.s32 $0x7880;
	s13 =	simm.s32 $0x8080  }
0x7: {  	s14 =	simm.s32 $0x8880;
	s15 =	simm.s32 $0x9080;
	s16 =	simm.s32 $0x9880  }
0x8: {  	s17 =	simm.s32 $0xA080;
	s18 =	simm.s32 $0xA880;
	s2 =	sshll.u32 s3, $0x1  }
0x9: {  	s1 =	sand.u32 $0x1, s1;
	s3 =	sshll.u32 s3, $0x6;
	s2 =	sand.u32 $0xE, s2  }
0xa: {  	s9 =	simm.s32 $0xB080;
	s3 =	sand.u32 $0x380, s3;
	s5 =	sor.u32 s1, s2  }
0xb: {  	s2 =	simm.s32 $0x0;
	s1 =	ssub.s32 $0x2, s1;
	s6 =	sshll.u32 s5, $0x5  }
0xc: {  	[smem:$0x7FF] =	sst s2;
	s25 =	sshrl.u32 s1, $0x1;
	s5 =	sshll.u32 s5, $0xE  }
0xd: {  	s6 =	sand.u32 $0x60, s6;
	_ =	strace $0x80000047;
	s1 =	ssub.s32 s1, s25  }
0xe: {  	s0 =	sadd.s32 s0, s5;
	s5 =	sadd.s32 $0x42900, s4;
	s25 =	simm.s32 $0x2880  }
0xf: {  	s3 =	sor.u32 s3, s6;
	s6 =	sadd.s32 $0x42A00, s4;
	[dreg:$0x6] =	wrdreg s0  }
0x10: {  	s0 =	sadd.s32 $0x2000, s0;
	s8 =	sadd.s32 s3, s4;
	s3 =	sadd.s32 $0x42800, s4  }
0x11: {  	v2 =	vlaneseq.u32;
	[dreg:$0x4] =	wrdreg s0;
	s7 =	sadd.s32 $0x42400, s8;
	s26 =	sadd.s32 $0x42410, s8  }
0x12: {  	vm0 =	vmmov $0xffff;
	v1 =	vshrl.u32 v2, $0x3;
	s8 =	smax.u32 s1, $0x1;
	s1 =	simm.s32 $0x5880;
	[dreg:$0x3] =	wrdreg s7  }
0x13: {  	v0 =	vand.u32 $0x7, v2;
	v2 =	vor.u32 $0x8, v2;
	v1 =	vmul.u32 $0x8, v1;
	s7 =	sadd.s32 $0x42B00, s4;
	[dreg:$0x5] =	wrdreg s26;
	s26 =	simm.s32 $0x3080  }
.LBB2_1:
0x14: {  	s20 =	rddreg [dreg:$0x6];
	s0 =	simm.s32 $0x80  }
0x15: {  	[tilespmem:s0], [sflag:$0x2] =	stream.linear.gather [hbm4b:s20+s2], $0x10000, $0x38;
	[tilespmem:$0x10080] =	vst v63  }
0x16: {  	_ =	swait.ge [sflag:s10], $0x10000  }
0x17: {  	[sflag:s10] =	ssyncset.done $0x0  }
0x18: {  	s4 =	rddreg [dreg:$0x3];
	[sflag:s10] =	ssyncadd.s32 $0xFFFF0000  }
0x19: {  	[tilespmem:s2], [sflag:$0x2] =	stream.linear.gather [hbm4b:s4+s2], $0x80, $0x38;
	[tilespmem:$0x10080] =	vst v63  }
0x1a: {  	_ =	swait.ge [sflag:s10], $0x80  }
0x1b: {  	[sflag:s10] =	ssyncset.done $0x0  }
0x1c: {  	[sflag:s10] =	ssyncadd.s32 $0xFFFFFF80  }
0x1d: {  	v3 =	vld [tilespmem:$0x0];
	_ =	sdelay $0x4  }
0x1e: {  	v4 =	vshll.u32 v3, $0x3  }
0x1f: {  	v3 =	vand.u32 $0x7, v3;
	v4 =	vand.u32 $0xFFFFFFC0, v4  }
0x20: {  	v3 =	vor.u32 v3, v4  }
0x21: {  	v4 =	vperm.xlane v3, v0;
	_ =	sdelay $0x1  }
0x22: {  	v4 =	vadd.s32 v1, v4;
	_ =	sdelay $0x4  }
0x23: {  	[hbm4b:s3+s2] =	stream.indirect_vreg.scatter [tilespmem:s0], [sflag:$0x1], $0x80, v4, vm0, $0xb8;
	[tilespmem:$0x10080] =	vst v63  }
0x24: {  	v3 =	vperm.xlane v3, v2  }
0x25: {  	[hbm4b:s5+s2] =	stream.indirect_vreg.scatter [tilespmem:s21], [sflag:$0x1], $0x80, v4, vm0, $0xb8;
	[tilespmem:$0x10080] =	vst v63  }
0x26: {  	v3 =	vadd.s32 v1, v3  }
0x27: {  	[hbm4b:s6+s2] =	stream.indirect_vreg.scatter [tilespmem:s22], [sflag:$0x1], $0x80, v4, vm0, $0xb8;
	[tilespmem:$0x10080] =	vst v63  }
0x28: {  	_ = 	snop  }
0x29: {  	[hbm4b:s7+s2] =	stream.indirect_vreg.scatter [tilespmem:s23], [sflag:$0x1], $0x80, v4, vm0, $0xb8;
	[tilespmem:$0x10080] =	vst v63  }
0x2a: {  	_ = 	snop  }
0x2b: {  	[hbm4b:s3+s2] =	stream.indirect_vreg.scatter [tilespmem:s24], [sflag:$0x1], $0x80, v3, vm0, $0xb8;
	[tilespmem:$0x10080] =	vst v63  }
0x2c: {  	_ = 	snop  }
0x2d: {  	[hbm4b:s5+s2] =	stream.indirect_vreg.scatter [tilespmem:s25], [sflag:$0x1], $0x80, v3, vm0, $0xb8;
	[tilespmem:$0x10080] =	vst v63  }
0x2e: {  	_ = 	snop  }
0x2f: {  	[hbm4b:s6+s2] =	stream.indirect_vreg.scatter [tilespmem:s26], [sflag:$0x1], $0x80, v3, vm0, $0xb8;
	[tilespmem:$0x10080] =	vst v63  }
0x30: {  	_ = 	snop  }
0x31: {  	[hbm4b:s7+s2] =	stream.indirect_vreg.scatter [tilespmem:s28], [sflag:$0x1], $0x80, v3, vm0, $0xb8;
	[tilespmem:$0x10080] =	vst v63  }
0x32: {  	v3 =	vld [tilespmem:$0x10];
	_ =	sdelay $0x4  }
0x33: {  	v57 =	vshll.u32 v3, $0x3  }
0x34: {  	v3 =	vand.u32 $0x7, v3;
	v4 =	vand.u32 $0xFFFFFFC0, v57  }
0x35: {  	v3 =	vor.u32 v3, v4  }
0x36: {  	v4 =	vperm.xlane v3, v0;
	_ =	sdelay $0x1  }
0x37: {  	v4 =	vadd.s32 v1, v4;
	_ =	sdelay $0x4  }
0x38: {  	[hbm4b:s3+s2] =	stream.indirect_vreg.scatter [tilespmem:s29], [sflag:$0x1], $0x80, v4, vm0, $0xb8;
	[tilespmem:$0x10080] =	vst v63  }
0x39: {  	v3 =	vperm.xlane v3, v2  }
0x3a: {  	[hbm4b:s5+s2] =	stream.indirect_vreg.scatter [tilespmem:s30], [sflag:$0x1], $0x80, v4, vm0, $0xb8;
	[tilespmem:$0x10080] =	vst v63  }
0x3b: {  	v3 =	vadd.s32 v1, v3  }
0x3c: {  	[hbm4b:s6+s2] =	stream.indirect_vreg.scatter [tilespmem:s31], [sflag:$0x1], $0x80, v4, vm0, $0xb8;
	[tilespmem:$0x10080] =	vst v63  }
0x3d: {  	_ = 	snop  }
0x3e: {  	[hbm4b:s7+s2] =	stream.indirect_vreg.scatter [tilespmem:s1], [sflag:$0x1], $0x80, v4, vm0, $0xb8;
	[tilespmem:$0x10080] =	vst v63  }
0x3f: {  	s4 =	simm.s32 $0x6080  }
0x40: {  	[hbm4b:s3+s2] =	stream.indirect_vreg.scatter [tilespmem:s4], [sflag:$0x1], $0x80, v3, vm0, $0xb8;
	[tilespmem:$0x10080] =	vst v63  }
0x41: {  	s4 =	simm.s32 $0x6880  }
0x42: {  	[hbm4b:s5+s2] =	stream.indirect_vreg.scatter [tilespmem:s4], [sflag:$0x1], $0x80, v3, vm0, $0xb8;
	[tilespmem:$0x10080] =	vst v63  }
0x43: {  	_ = 	snop  }
0x44: {  	[hbm4b:s6+s2] =	stream.indirect_vreg.scatter [tilespmem:s11], [sflag:$0x1], $0x80, v3, vm0, $0xb8;
	[tilespmem:$0x10080] =	vst v63  }
0x45: {  	_ = 	snop  }
0x46: {  	[hbm4b:s7+s2] =	stream.indirect_vreg.scatter [tilespmem:s12], [sflag:$0x1], $0x80, v3, vm0, $0xb8;
	[tilespmem:$0x10080] =	vst v63  }
0x47: {  	v3 =	vld [tilespmem:$0x20];
	_ =	sdelay $0x4  }
0x48: {  	v58 =	vshll.u32 v3, $0x3  }
0x49: {  	v3 =	vand.u32 $0x7, v3;
	v4 =	vand.u32 $0xFFFFFFC0, v58  }
0x4a: {  	v3 =	vor.u32 v3, v4  }
0x4b: {  	v4 =	vperm.xlane v3, v0;
	_ =	sdelay $0x1  }
0x4c: {  	v4 =	vadd.s32 v1, v4;
	_ =	sdelay $0x4  }
0x4d: {  	[hbm4b:s3+s2] =	stream.indirect_vreg.scatter [tilespmem:s13], [sflag:$0x1], $0x80, v4, vm0, $0xb8;
	[tilespmem:$0x10080] =	vst v63  }
0x4e: {  	v3 =	vperm.xlane v3, v2  }
0x4f: {  	[hbm4b:s5+s2] =	stream.indirect_vreg.scatter [tilespmem:s14], [sflag:$0x1], $0x80, v4, vm0, $0xb8;
	[tilespmem:$0x10080] =	vst v63  }
0x50: {  	v3 =	vadd.s32 v1, v3  }
0x51: {  	[hbm4b:s6+s2] =	stream.indirect_vreg.scatter [tilespmem:s15], [sflag:$0x1], $0x80, v4, vm0, $0xb8;
	[tilespmem:$0x10080] =	vst v63  }
0x52: {  	_ = 	snop  }
0x53: {  	[hbm4b:s7+s2] =	stream.indirect_vreg.scatter [tilespmem:s16], [sflag:$0x1], $0x80, v4, vm0, $0xb8;
	[tilespmem:$0x10080] =	vst v63  }
0x54: {  	_ = 	snop  }
0x55: {  	[hbm4b:s3+s2] =	stream.indirect_vreg.scatter [tilespmem:s17], [sflag:$0x1], $0x80, v3, vm0, $0xb8;
	[tilespmem:$0x10080] =	vst v63  }
0x56: {  	_ = 	snop  }
0x57: {  	[hbm4b:s5+s2] =	stream.indirect_vreg.scatter [tilespmem:s18], [sflag:$0x1], $0x80, v3, vm0, $0xb8;
	[tilespmem:$0x10080] =	vst v63  }
0x58: {  	_ = 	snop  }
0x59: {  	[hbm4b:s6+s2] =	stream.indirect_vreg.scatter [tilespmem:s9], [sflag:$0x1], $0x80, v3, vm0, $0xb8;
	[tilespmem:$0x10080] =	vst v63  }
0x5a: {  	s20 =	simm.s32 $0xB880  }
0x5b: {  	[hbm4b:s7+s2] =	stream.indirect_vreg.scatter [tilespmem:s20], [sflag:$0x1], $0x80, v3, vm0, $0xb8;
	[tilespmem:$0x10080] =	vst v63  }
0x5c: {  	v3 =	vld [tilespmem:$0x30];
	_ =	sdelay $0x4  }
0x5d: {  	v59 =	vshll.u32 v3, $0x3  }
0x5e: {  	v3 =	vand.u32 $0x7, v3;
	v4 =	vand.u32 $0xFFFFFFC0, v59  }
0x5f: {  	v3 =	vor.u32 v3, v4  }
0x60: {  	v4 =	vperm.xlane v3, v0;
	_ =	sdelay $0x1  }
0x61: {  	v4 =	vadd.s32 v1, v4;
	_ =	sdelay $0x3  }
0x62: {  	s20 =	simm.s32 $0xC080  }
0x63: {  	[hbm4b:s3+s2] =	stream.indirect_vreg.scatter [tilespmem:s20], [sflag:$0x1], $0x80, v4, vm0, $0xb8;
	[tilespmem:$0x10080] =	vst v63  }
0x64: {  	v3 =	vperm.xlane v3, v2;
	s20 =	simm.s32 $0xC880  }
0x65: {  	[hbm4b:s5+s2] =	stream.indirect_vreg.scatter [tilespmem:s20], [sflag:$0x1], $0x80, v4, vm0, $0xb8;
	[tilespmem:$0x10080] =	vst v63  }
0x66: {  	v3 =	vadd.s32 v1, v3;
	s20 =	simm.s32 $0xD080  }
0x67: {  	[hbm4b:s6+s2] =	stream.indirect_vreg.scatter [tilespmem:s20], [sflag:$0x1], $0x80, v4, vm0, $0xb8;
	[tilespmem:$0x10080] =	vst v63  }
0x68: {  	s20 =	simm.s32 $0xD880  }
0x69: {  	[hbm4b:s7+s2] =	stream.indirect_vreg.scatter [tilespmem:s20], [sflag:$0x1], $0x80, v4, vm0, $0xb8;
	[tilespmem:$0x10080] =	vst v63  }
0x6a: {  	s20 =	simm.s32 $0xE080  }
0x6b: {  	[hbm4b:s3+s2] =	stream.indirect_vreg.scatter [tilespmem:s20], [sflag:$0x1], $0x80, v3, vm0, $0xb8;
	[tilespmem:$0x10080] =	vst v63  }
0x6c: {  	s20 =	simm.s32 $0xE880  }
0x6d: {  	[hbm4b:s5+s2] =	stream.indirect_vreg.scatter [tilespmem:s20], [sflag:$0x1], $0x80, v3, vm0, $0xb8;
	[tilespmem:$0x10080] =	vst v63  }
0x6e: {  	s20 =	simm.s32 $0xF080  }
0x6f: {  	[hbm4b:s6+s2] =	stream.indirect_vreg.scatter [tilespmem:s20], [sflag:$0x1], $0x80, v3, vm0, $0xb8;
	[tilespmem:$0x10080] =	vst v63  }
0x70: {  	s20 =	simm.s32 $0xF880  }
0x71: {  	[hbm4b:s7+s2] =	stream.indirect_vreg.scatter [tilespmem:s20], [sflag:$0x1], $0x80, v3, vm0, $0xb8;
	[tilespmem:$0x10080] =	vst v63  }
0x72: {  	_ =	swait.ge [sflag:s19], $0x10000  }
0x73: {  	[sflag:s19] =	ssyncset.done $0x0  }
0x74: {  	s20 =	rddreg [dreg:$0x4];
	[sflag:s19] =	ssyncadd.s32 $0xFFFF0000  }
0x75: {  	[tilespmem:s0], [sflag:$0x2] =	stream.linear.gather [hbm4b:s20+s2], $0x10000, $0x38;
	[tilespmem:$0x10080] =	vst v63  }
0x76: {  	_ =	swait.ge [sflag:s10], $0x10000  }
0x77: {  	[sflag:s10] =	ssyncset.done $0x0  }
0x78: {  	s20 =	rddreg [dreg:$0x5];
	[sflag:s10] =	ssyncadd.s32 $0xFFFF0000  }
0x79: {  	[tilespmem:s2], [sflag:$0x2] =	stream.linear.gather [hbm4b:s20+s2], $0x80, $0x38;
	[tilespmem:$0x10080] =	vst v63  }
0x7a: {  	_ =	swait.ge [sflag:s10], $0x80  }
0x7b: {  	[sflag:s10] =	ssyncset.done $0x0  }
0x7c: {  	[sflag:s10] =	ssyncadd.s32 $0xFFFFFF80  }
0x7d: {  	v3 =	vld [tilespmem:$0x0];
	_ =	sdelay $0x4  }
0x7e: {  	v60 =	vshll.u32 v3, $0x3  }
0x7f: {  	v3 =	vand.u32 $0x7, v3;
	v4 =	vand.u32 $0xFFFFFFC0, v60  }
0x80: {  	v3 =	vor.u32 v3, v4  }
0x81: {  	v4 =	vperm.xlane v3, v0;
	_ =	sdelay $0x1  }
0x82: {  	v4 =	vadd.s32 v1, v4;
	_ =	sdelay $0x4  }
0x83: {  	[hbm4b:s3+s2] =	stream.indirect_vreg.scatter [tilespmem:s0], [sflag:$0x1], $0x80, v4, vm0, $0xb8;
	[tilespmem:$0x10080] =	vst v63  }
0x84: {  	v3 =	vperm.xlane v3, v2  }
0x85: {  	[hbm4b:s5+s2] =	stream.indirect_vreg.scatter [tilespmem:s21], [sflag:$0x1], $0x80, v4, vm0, $0xb8;
	[tilespmem:$0x10080] =	vst v63  }
0x86: {  	v3 =	vadd.s32 v1, v3  }
0x87: {  	[hbm4b:s6+s2] =	stream.indirect_vreg.scatter [tilespmem:s22], [sflag:$0x1], $0x80, v4, vm0, $0xb8;
	[tilespmem:$0x10080] =	vst v63  }
0x88: {  	_ = 	snop  }
0x89: {  	[hbm4b:s7+s2] =	stream.indirect_vreg.scatter [tilespmem:s23], [sflag:$0x1], $0x80, v4, vm0, $0xb8;
	[tilespmem:$0x10080] =	vst v63  }
0x8a: {  	_ = 	snop  }
0x8b: {  	[hbm4b:s3+s2] =	stream.indirect_vreg.scatter [tilespmem:s24], [sflag:$0x1], $0x80, v3, vm0, $0xb8;
	[tilespmem:$0x10080] =	vst v63  }
0x8c: {  	_ = 	snop  }
0x8d: {  	[hbm4b:s5+s2] =	stream.indirect_vreg.scatter [tilespmem:s25], [sflag:$0x1], $0x80, v3, vm0, $0xb8;
	[tilespmem:$0x10080] =	vst v63  }
0x8e: {  	_ = 	snop  }
0x8f: {  	[hbm4b:s6+s2] =	stream.indirect_vreg.scatter [tilespmem:s26], [sflag:$0x1], $0x80, v3, vm0, $0xb8;
	[tilespmem:$0x10080] =	vst v63  }
0x90: {  	_ = 	snop  }
0x91: {  	[hbm4b:s7+s2] =	stream.indirect_vreg.scatter [tilespmem:s28], [sflag:$0x1], $0x80, v3, vm0, $0xb8;
	[tilespmem:$0x10080] =	vst v63  }
0x92: {  	v3 =	vld [tilespmem:$0x10];
	_ =	sdelay $0x4  }
0x93: {  	v61 =	vshll.u32 v3, $0x3  }
0x94: {  	v3 =	vand.u32 $0x7, v3;
	v4 =	vand.u32 $0xFFFFFFC0, v61  }
0x95: {  	v3 =	vor.u32 v3, v4  }
0x96: {  	v4 =	vperm.xlane v3, v0;
	_ =	sdelay $0x1  }
0x97: {  	v4 =	vadd.s32 v1, v4;
	_ =	sdelay $0x4  }
0x98: {  	[hbm4b:s3+s2] =	stream.indirect_vreg.scatter [tilespmem:s29], [sflag:$0x1], $0x80, v4, vm0, $0xb8;
	[tilespmem:$0x10080] =	vst v63  }
0x99: {  	v3 =	vperm.xlane v3, v2  }
0x9a: {  	[hbm4b:s5+s2] =	stream.indirect_vreg.scatter [tilespmem:s30], [sflag:$0x1], $0x80, v4, vm0, $0xb8;
	[tilespmem:$0x10080] =	vst v63  }
0x9b: {  	v3 =	vadd.s32 v1, v3  }
0x9c: {  	[hbm4b:s6+s2] =	stream.indirect_vreg.scatter [tilespmem:s31], [sflag:$0x1], $0x80, v4, vm0, $0xb8;
	[tilespmem:$0x10080] =	vst v63  }
0x9d: {  	_ = 	snop  }
0x9e: {  	[hbm4b:s7+s2] =	stream.indirect_vreg.scatter [tilespmem:s1], [sflag:$0x1], $0x80, v4, vm0, $0xb8;
	[tilespmem:$0x10080] =	vst v63  }
0x9f: {  	s20 =	simm.s32 $0x6080  }
0xa0: {  	[hbm4b:s3+s2] =	stream.indirect_vreg.scatter [tilespmem:s20], [sflag:$0x1], $0x80, v3, vm0, $0xb8;
	[tilespmem:$0x10080] =	vst v63  }
0xa1: {  	_ = 	snop  }
0xa2: {  	[hbm4b:s5+s2] =	stream.indirect_vreg.scatter [tilespmem:s4], [sflag:$0x1], $0x80, v3, vm0, $0xb8;
	[tilespmem:$0x10080] =	vst v63  }
0xa3: {  	_ = 	snop  }
0xa4: {  	[hbm4b:s6+s2] =	stream.indirect_vreg.scatter [tilespmem:s11], [sflag:$0x1], $0x80, v3, vm0, $0xb8;
	[tilespmem:$0x10080] =	vst v63  }
0xa5: {  	_ = 	snop  }
0xa6: {  	[hbm4b:s7+s2] =	stream.indirect_vreg.scatter [tilespmem:s12], [sflag:$0x1], $0x80, v3, vm0, $0xb8;
	[tilespmem:$0x10080] =	vst v63  }
0xa7: {  	v3 =	vld [tilespmem:$0x20];
	_ =	sdelay $0x4  }
0xa8: {  	v62 =	vshll.u32 v3, $0x3  }
0xa9: {  	v3 =	vand.u32 $0x7, v3;
	v4 =	vand.u32 $0xFFFFFFC0, v62  }
0xaa: {  	v3 =	vor.u32 v3, v4  }
0xab: {  	v4 =	vperm.xlane v3, v0;
	_ =	sdelay $0x1  }
0xac: {  	v4 =	vadd.s32 v1, v4;
	_ =	sdelay $0x4  }
0xad: {  	[hbm4b:s3+s2] =	stream.indirect_vreg.scatter [tilespmem:s13], [sflag:$0x1], $0x80, v4, vm0, $0xb8;
	[tilespmem:$0x10080] =	vst v63  }
0xae: {  	v3 =	vperm.xlane v3, v2  }
0xaf: {  	[hbm4b:s5+s2] =	stream.indirect_vreg.scatter [tilespmem:s14], [sflag:$0x1], $0x80, v4, vm0, $0xb8;
	[tilespmem:$0x10080] =	vst v63  }
0xb0: {  	v3 =	vadd.s32 v1, v3  }
0xb1: {  	[hbm4b:s6+s2] =	stream.indirect_vreg.scatter [tilespmem:s15], [sflag:$0x1], $0x80, v4, vm0, $0xb8;
	[tilespmem:$0x10080] =	vst v63  }
0xb2: {  	_ = 	snop  }
0xb3: {  	[hbm4b:s7+s2] =	stream.indirect_vreg.scatter [tilespmem:s16], [sflag:$0x1], $0x80, v4, vm0, $0xb8;
	[tilespmem:$0x10080] =	vst v63  }
0xb4: {  	_ = 	snop  }
0xb5: {  	[hbm4b:s3+s2] =	stream.indirect_vreg.scatter [tilespmem:s17], [sflag:$0x1], $0x80, v3, vm0, $0xb8;
	[tilespmem:$0x10080] =	vst v63  }
0xb6: {  	_ = 	snop  }
0xb7: {  	[hbm4b:s5+s2] =	stream.indirect_vreg.scatter [tilespmem:s18], [sflag:$0x1], $0x80, v3, vm0, $0xb8;
	[tilespmem:$0x10080] =	vst v63  }
0xb8: {  	_ = 	snop  }
0xb9: {  	[hbm4b:s6+s2] =	stream.indirect_vreg.scatter [tilespmem:s9], [sflag:$0x1], $0x80, v3, vm0, $0xb8;
	[tilespmem:$0x10080] =	vst v63  }
0xba: {  	s20 =	simm.s32 $0xB880  }
0xbb: {  	[hbm4b:s7+s2] =	stream.indirect_vreg.scatter [tilespmem:s20], [sflag:$0x1], $0x80, v3, vm0, $0xb8;
	[tilespmem:$0x10080] =	vst v63  }
0xbc: {  	v3 =	vld [tilespmem:$0x30];
	_ =	sdelay $0x4  }
0xbd: {  	v63 =	vshll.u32 v3, $0x3  }
0xbe: {  	v3 =	vand.u32 $0x7, v3;
	v4 =	vand.u32 $0xFFFFFFC0, v63  }
0xbf: {  	v3 =	vor.u32 v3, v4  }
0xc0: {  	v4 =	vperm.xlane v3, v0;
	_ =	sdelay $0x1  }
0xc1: {  	v4 =	vadd.s32 v1, v4;
	_ =	sdelay $0x3  }
0xc2: {  	s4 =	simm.s32 $0xC080  }
0xc3: {  	[hbm4b:s3+s2] =	stream.indirect_vreg.scatter [tilespmem:s4], [sflag:$0x1], $0x80, v4, vm0, $0xb8;
	[tilespmem:$0x10080] =	vst v63  }
0xc4: {  	s20 =	simm.s32 $0xC880;
	v3 =	vperm.xlane v3, v2  }
0xc5: {  	[hbm4b:s5+s2] =	stream.indirect_vreg.scatter [tilespmem:s20], [sflag:$0x1], $0x80, v4, vm0, $0xb8;
	[tilespmem:$0x10080] =	vst v63  }
0xc6: {  	v3 =	vadd.s32 v1, v3;
	s4 =	simm.s32 $0xD080  }
0xc7: {  	[hbm4b:s6+s2] =	stream.indirect_vreg.scatter [tilespmem:s4], [sflag:$0x1], $0x80, v4, vm0, $0xb8;
	[tilespmem:$0x10080] =	vst v63  }
0xc8: {  	s20 =	simm.s32 $0xD880  }
0xc9: {  	[hbm4b:s7+s2] =	stream.indirect_vreg.scatter [tilespmem:s20], [sflag:$0x1], $0x80, v4, vm0, $0xb8;
	[tilespmem:$0x10080] =	vst v63  }
0xca: {  	s4 =	simm.s32 $0xE080  }
0xcb: {  	[hbm4b:s3+s2] =	stream.indirect_vreg.scatter [tilespmem:s4], [sflag:$0x1], $0x80, v3, vm0, $0xb8;
	[tilespmem:$0x10080] =	vst v63  }
0xcc: {  	s20 =	simm.s32 $0xE880  }
0xcd: {  	[hbm4b:s5+s2] =	stream.indirect_vreg.scatter [tilespmem:s20], [sflag:$0x1], $0x80, v3, vm0, $0xb8;
	[tilespmem:$0x10080] =	vst v63  }
0xce: {  	p0 =	sne.s32 s8, $0x1;
	s4 =	simm.s32 $0xF080  }
0xcf: {  	[hbm4b:s6+s2] =	stream.indirect_vreg.scatter [tilespmem:s4], [sflag:$0x1], $0x80, v3, vm0, $0xb8;
	[tilespmem:$0x10080] =	vst v63  }
.Ltmp0:
0xd0: {  	s20 =	simm.s32 $0xF880;
	(pc) =	sbr.rel @p0 .LBB2_1-.Ltmp0, $4  }
0xd1: {  	[hbm4b:s7+s2] =	stream.indirect_vreg.scatter [tilespmem:s20], [sflag:$0x1], $0x80, v3, vm0, $0xb8;
	[tilespmem:$0x10080] =	vst v63  }
0xd2: {  	_ =	swait.ge [sflag:s19], $0x10000  }
0xd3: {  	[sflag:s19] =	ssyncset.done $0x0  }
0xd4: {  	s8 =	sadd.s32 $0xFFFFFFFF, s8;
	[sflag:s19] =	ssyncadd.s32 $0xFFFF0000  }
0xd5: {  	_ =	sfence.sel $0x180000  }
0xd6: {  	[bflag:$0x0] =	sbarrier.arrive $0xFFFF  }
0xd7: {  	_ =	strace $0x90000047  }
0xd8: {  	s0 =	stileid.u32;
	[bflag:$0x2] =	sbarrier.arrive $0xFFFF  }
0xd9: {  	p0 =	sne.s32 s0, $0x0;
	s0 =	rddreg [dreg:$0x2]  }
0xda: {  	s0 =	sadd.s32 @!p0 $0x100000, s0  }
0xdb: {  	[sflag:s0] =	ssyncadd.tile.s32 @!p0 $0x1;
	_ =	shalt  }
.Lfunc_end2:
_tile_overlayer_lowered:
.L_overlay_start_2:
0xdc: {  	(tag) =	ssettag $0x2  }
0xdd: {  	s0 =	rddreg [dreg:$0x0];
	s2 =	stileid.u32  }
0xde: {  	s1 =	rddreg [dreg:$0x1];
	p0 =	sne.s32 s2, $0x0  }
0xdf: {  	s3 =	rddreg [dreg:$0x2];
	[bflag:$0x3] =	sbarrier.arrive $0xFFFF;
	s2 =	simm.s32 @!p0 $0x1C02  }
0xe0: {  	[timem:s3], [sflag:s2] =	dma.local @!p0 [hbm:s0], s1  }
0xe1: {  	s0 =	simm.s32 @!p0 $0x2  }
0xe2: {  	_ =	swait.ge @!p0 [sflag:s0], s1  }
0xe3: {  	s1 =	ssub.s32 @!p0 $0x0, s1;
	[sflag:s0] =	ssyncset.done @!p0 $0x0  }
0xe4: {  	[sflag:s0] =	ssyncadd.s32 @!p0 s1  }
0xe5: {  	[bflag:$0x3] =	sbarrier.arrive $0xFFFF  }
0xe6: {  	_ =	shalt  }

</sc_bundles>
